<compile_context>
chip_gen: v7x
topology: tpu7x:2x2x1
jax: 0.10.2.dev20260603
libtpu: 0.0.44.dev20260713+nightly
codegen_flags: <defaults>
</compile_context>

<pallas_src>
import functools

import jax
import jax.numpy as jnp
from jax import lax
from jax.experimental import pallas as pl
from jax.experimental.pallas import tpu as pltpu
from jax.experimental.pallas import tpu_sc as plsc

N = 10000
D = 128
E = 320000

NC = 2
NS = 16
NW = NC * NS

CHUNK = 128
CPT = 80
E_PAD = NW * CPT * CHUNK
N_PAD = 10112
RPT = N_PAD // NS
_MESH = plsc.VectorSubcoreMesh(core_axis_name="c", subcore_axis_name="s")


_DEG_GRP = 16


@functools.partial(
    pl.kernel,
    out_type=jax.ShapeDtypeStruct((NC, N_PAD, D), jnp.float32),
    mesh=_MESH,
    scratch_types=[
        pltpu.VMEM((CPT, CHUNK), jnp.int32),
        pltpu.VMEM((CHUNK, D), jnp.float32),
        pltpu.VMEM_SHARED((N_PAD, D), jnp.float32),
        pltpu.SemaphoreType.DMA,
    ],
)
def _sc_degree(dst_hbm, ones_hbm, zrows_hbm, dp_hbm, dst_v, ones_v, degacc, sem):
    cid = lax.axis_index("c")
    sid = lax.axis_index("s")
    w = cid * NS + sid
    pltpu.sync_copy(zrows_hbm, degacc.at[pl.ds(sid * RPT, RPT)])
    pltpu.sync_copy(ones_hbm, ones_v)
    pltpu.sync_copy(dst_hbm.at[pl.ds(w * CPT, CPT)], dst_v)
    plsc.subcore_barrier()

    def group(gi, carry):
        def fire(k, c):
            pltpu.async_copy(ones_v, degacc.at[dst_v.at[gi * _DEG_GRP + k]],
                             sem, add=True)
            return c

        def drain(k, c):
            pltpu.make_async_copy(
                ones_v, degacc.at[dst_v.at[gi * _DEG_GRP + k]], sem).wait()
            return c

        lax.fori_loop(0, _DEG_GRP, fire, carry)
        lax.fori_loop(0, _DEG_GRP, drain, carry)
        return carry

    lax.fori_loop(0, CPT // _DEG_GRP, group, 0)
    plsc.subcore_barrier()
    pltpu.sync_copy(degacc.at[pl.ds(sid * RPT, RPT)],
                    dp_hbm.at[cid, pl.ds(sid * RPT, RPT)])


@functools.partial(
    pl.kernel,
    out_type=jax.ShapeDtypeStruct((NC, N_PAD, D), jnp.float32),
    mesh=_MESH,
    scratch_types=[
        pltpu.VMEM((40, CHUNK), jnp.int32),
        pltpu.VMEM((40, CHUNK), jnp.int32),
        pltpu.VMEM((CHUNK, D), jnp.float32),
        pltpu.VMEM((CHUNK, D), jnp.float32),
        pltpu.VMEM_SHARED((N_PAD, D), jnp.float32),
        pltpu.SemaphoreType.DMA,
        pltpu.SemaphoreType.DMA,
    ],
)
def _sc_scatter(g_hbm, src_hbm, dst_hbm, zrows_hbm, out_hbm,
                src_v, dst_v, rows_a, rows_b, acc, sem_a, sem_b):
    cid = lax.axis_index("c")
    sid = lax.axis_index("s")
    pltpu.sync_copy(zrows_hbm, acc.at[pl.ds(sid * RPT, RPT)])
    plsc.subcore_barrier()

    def edge_pass(base, n_chunks, carry):
        pltpu.sync_copy(src_hbm.at[pl.ds(base, n_chunks)],
                        src_v.at[pl.ds(0, n_chunks)])
        pltpu.sync_copy(dst_hbm.at[pl.ds(base, n_chunks)],
                        dst_v.at[pl.ds(0, n_chunks)])
        nh = n_chunks // 2
        pltpu.async_copy(g_hbm.at[src_v.at[0]], rows_a, sem_a)

        def body(j, c):
            ia = 2 * j
            ib = ia + 1
            pltpu.async_copy(g_hbm.at[src_v.at[ib]], rows_b, sem_b)
            pltpu.make_async_copy(g_hbm.at[src_v.at[ia]], rows_a, sem_a).wait()
            pltpu.sync_copy(rows_a, acc.at[dst_v.at[ia]], add=True)

            @pl.when(j < nh - 1)
            def _():
                pltpu.async_copy(g_hbm.at[src_v.at[ia + 2]], rows_a, sem_a)

            pltpu.make_async_copy(g_hbm.at[src_v.at[ib]], rows_b, sem_b).wait()
            pltpu.sync_copy(rows_b, acc.at[dst_v.at[ib]], add=True)
            return c

        return lax.fori_loop(0, nh, body, carry)

    w = cid * NS + sid
    lax.fori_loop(0, 2, lambda h, c: edge_pass(w * CPT + h * 40, 40, c), 0)

    plsc.subcore_barrier()
    pltpu.sync_copy(acc.at[pl.ds(sid * RPT, RPT)],
                    out_hbm.at[cid, pl.ds(sid * RPT, RPT)])


_BLK = N_PAD // 8


def _dis_of(dp_blk):
    deg = dp_blk[0, :, 0] + dp_blk[1, :, 0] + 1.0
    return lax.rsqrt(deg)


def _tc1_body(x_ref, w_ref, dp_ref, o_ref):
    dis = _dis_of(dp_ref[...])
    h = jnp.dot(x_ref[...], w_ref[...], preferred_element_type=jnp.float32)
    o_ref[...] = h * dis[:, None]


def _tc2_body(p_ref, g_ref, dp_ref, b_ref, w_ref, o_ref):
    dis = _dis_of(dp_ref[...])
    p = p_ref[...]
    u = dis[:, None] * (p[0] + p[1] + g_ref[...]) + b_ref[...]
    t = jnp.where(u >= 0, u, 0.01 * u)
    h = jnp.dot(t, w_ref[...], preferred_element_type=jnp.float32)
    o_ref[...] = h * dis[:, None]


def _tc3_body(p_ref, g_ref, dp_ref, b_ref, o_ref):
    dis = _dis_of(dp_ref[...])
    p = p_ref[...]
    u = dis[:, None] * (p[0] + p[1] + g_ref[...]) + b_ref[...]
    o_ref[...] = jnp.where(u >= 0, u, 0.01 * u)


_rows_spec = pl.BlockSpec((_BLK, D), lambda i: (i, 0))
_w_spec = pl.BlockSpec((D, D), lambda i: (0, 0))
_dp_spec = pl.BlockSpec((NC, _BLK, D), lambda i: (0, i, 0))
_p_spec = pl.BlockSpec((NC, _BLK, D), lambda i: (0, i, 0))
_b_spec = pl.BlockSpec((1, D), lambda i: (0, 0))
_out_shape = jax.ShapeDtypeStruct((N_PAD, D), jnp.float32)

_tc1 = pl.pallas_call(
    _tc1_body, grid=(8,),
    in_specs=[_rows_spec, _w_spec, _dp_spec],
    out_specs=_rows_spec, out_shape=_out_shape)

_tc2 = pl.pallas_call(
    _tc2_body, grid=(8,),
    in_specs=[_p_spec, _rows_spec, _dp_spec, _b_spec, _w_spec],
    out_specs=_rows_spec, out_shape=_out_shape)

_tc3 = pl.pallas_call(
    _tc3_body, grid=(8,),
    in_specs=[_p_spec, _rows_spec, _dp_spec, _b_spec],
    out_specs=_rows_spec, out_shape=_out_shape)


def kernel(node_features, edge_index, W1, b1, W2, b2):
    seq = jnp.arange(E_PAD - E, dtype=jnp.int32)
    src = jnp.concatenate([edge_index[0].astype(jnp.int32), seq % N])
    dst = jnp.concatenate([edge_index[1].astype(jnp.int32),
                           N + seq % (N_PAD - N)])
    src = src.reshape(E_PAD // CHUNK, CHUNK)
    dst = dst.reshape(E_PAD // CHUNK, CHUNK)

    x_pad = jnp.pad(node_features, ((0, N_PAD - N), (0, 0)))
    ones_deg = jnp.ones((CHUNK, D), jnp.float32)
    zrows = jnp.zeros((RPT, D), jnp.float32)
    b1r = b1.reshape(1, D)
    b2r = b2.reshape(1, D)

    dp = _sc_degree(dst, ones_deg, zrows)
    g1 = _tc1(x_pad, W1, dp)
    p1 = _sc_scatter(g1, src, dst, zrows)
    g2 = _tc2(p1, g1, dp, b1r, W2)
    p2 = _sc_scatter(g2, src, dst, zrows)
    out = _tc3(p2, g2, dp, b2r)
    return out[:N]

# --- scband reference (transcript-rebuilt; emitter-appended) ---
"""Pipeline reference for scband-gcnlayer-86964497809684 (READ-ONLY COPY).

The authoritative reference and input builder live on the scoring server;
editing this copy changes nothing except your own understanding.
"""

import jax, jax.numpy as jnp
import numpy as np

N_NODES = 10000
N_EDGES = 320000
D_IN = 128
D_H1 = 128
D_H2 = 128


def gcn_conv(x, edge_index, W, b):
    # Faithful PyG GCNConv: add self-loops, symmetric deg^{-1/2} normalization,
    # linear transform, scatter-add aggregation to destination nodes, bias.
    n = x.shape[0]
    loop = jnp.arange(n, dtype=edge_index.dtype)
    src = jnp.concatenate([edge_index[0], loop])
    dst = jnp.concatenate([edge_index[1], loop])
    h = x @ W
    deg = jnp.zeros((n,), dtype=h.dtype).at[dst].add(1.0)
    dis = jnp.where(deg > 0, deg ** -0.5, 0.0)
    norm = dis[src] * dis[dst]
    msg = h[src] * norm[:, None]
    out = jnp.zeros((n, h.shape[1]), dtype=h.dtype).at[dst].add(msg)
    return out + b


def leaky_relu(x, negative_slope=0.01):
    return jnp.where(x >= 0, x, negative_slope * x)


def setup_inputs(seed: int = 0) -> dict:
    key = jax.random.key(seed)
    k1, k2, k3, k4 = jax.random.split(key, 4)
    node_features = jax.random.normal(k1, (N_NODES, D_IN), dtype=jnp.float32)
    edge_index = jax.random.randint(k2, (2, N_EDGES), 0, N_NODES, dtype=jnp.int32)
    W1 = jax.random.normal(k3, (D_IN, D_H1), dtype=jnp.float32) * (1.0 / np.sqrt(D_IN))
    b1 = jnp.zeros((D_H1,), dtype=jnp.float32)
    W2 = jax.random.normal(k4, (D_H1, D_H2), dtype=jnp.float32) * (1.0 / np.sqrt(D_H1))
    b2 = jnp.zeros((D_H2,), dtype=jnp.float32)
    return {"node_features": node_features, "edge_index": edge_index,
            "W1": W1, "b1": b1, "W2": W2, "b2": b2}


def reference(node_features, edge_index, W1, b1, W2, b2):
    x = gcn_conv(node_features, edge_index, W1, b1)
    x = leaky_relu(x)
    x = gcn_conv(x, edge_index, W2, b2)
    x = leaky_relu(x)
    return x

if __name__ == "__main__":
    import jax
    _d = setup_inputs()
    print(jax.jit(kernel)(*tuple(_d.values())))

</pallas_src>

<mosaic_0001>
#map = affine_map<(d0, d1) -> (0, 0)>
#map1 = affine_map<(d0, d1) -> (0, 0, 0)>
module attributes {stable_mosaic.version = 14 : i64} {
  func.func @_sc_scatter(%arg0: i32, %arg1: i32, %arg2: memref<10112x128xf32, #tpu.memory_space<hbm>>, %arg3: memref<2560x128xi32, #tpu.memory_space<hbm>>, %arg4: memref<2560x128xi32, #tpu.memory_space<hbm>>, %arg5: memref<632x128xf32, #tpu.memory_space<hbm>>, %arg6: memref<2x10112x128xf32, #tpu.memory_space<hbm>>, %arg7: memref<40x128xi32, #tpu.memory_space<vmem>>, %arg8: memref<40x128xi32, #tpu.memory_space<vmem>>, %arg9: memref<128x128xf32, #tpu.memory_space<vmem>>, %arg10: memref<128x128xf32, #tpu.memory_space<vmem>>, %arg11: memref<10112x128xf32, #tpu.memory_space<vmem_shared>>, %arg12: memref<!tpu.dma_semaphore, #tpu.memory_space<semaphore_mem>>, %arg13: memref<!tpu.dma_semaphore, #tpu.memory_space<semaphore_mem>>) attributes {dimension_semantics = [#tpu.dimension_semantics<core_parallel>, #tpu.dimension_semantics<subcore_parallel>], iteration_bounds = array<i64: 2, 16>, scalar_prefetch = 0 : i64, scratch_operands = 7 : i64, tpu.core_type = #tpu.core_type<sc_vector_subcore>, window_params = [{transform_indices = #map}, {transform_indices = #map}, {transform_indices = #map}, {transform_indices = #map}, {transform_indices = #map1}]} {
    %mul3A = arith.constant 632 : i32
    %mul3A_0 = arith.muli %arg1, %mul3A : i32
    "tpu.region"() ({
      %run_scoped3A = tpu.sem_alloc : memref<!tpu.dma_semaphore, #tpu.memory_space<semaphore_mem>>
      %dma_start3A = arith.constant 0 : i32
      %dma_start3A_13 = tpu.memref_slice %arg11[%mul3A_0, %dma_start3A] : memref<10112x128xf32, #tpu.memory_space<vmem_shared>> -> memref<632x128xf32, #tpu.memory_space<vmem_shared>>
      tpu.enqueue_dma source(%arg5 : memref<632x128xf32, #tpu.memory_space<hbm>>) target(%dma_start3A_13 : memref<632x128xf32, #tpu.memory_space<vmem_shared>>) target_semaphore(%run_scoped3A : memref<!tpu.dma_semaphore, #tpu.memory_space<semaphore_mem>>)
      %dma_wait3A = arith.constant 0 : i32
      %dma_wait3A_14 = tpu.memref_slice %arg11[%mul3A_0, %dma_wait3A] : memref<10112x128xf32, #tpu.memory_space<vmem_shared>> -> memref<632x128xf32, #tpu.memory_space<vmem_shared>>
      tpu.wait_dma2 semaphore(%run_scoped3A : memref<!tpu.dma_semaphore, #tpu.memory_space<semaphore_mem>>) src(%arg5 : memref<632x128xf32, #tpu.memory_space<hbm>>) dst(%dma_wait3A_14 : memref<632x128xf32, #tpu.memory_space<vmem_shared>>)
      tpu.yield
    }) : () -> ()
    %barrier3A = arith.constant 0 : index
    tpu.barrier barrier_id(%barrier3A)
    %mul3A_1 = arith.constant 16 : i32
    %mul3A_2 = arith.muli %arg0, %mul3A_1 : i32
    %add3A = arith.addi %mul3A_2, %arg1 : i32
    %scan3A = arith.constant 0 : i32
    %scan3A_3 = arith.constant 0 : i32
    %scan3A_4 = arith.constant 2 : i32
    %scan3A_5 = arith.addi %scan3A_3, %scan3A_4 : i32
    %scan3A_6 = arith.constant 1 : i32
    scf.for %scan3A_13 = %scan3A_3 to %scan3A_5 step %scan3A_6  : i32 {
      %mul3A_14 = arith.constant 80 : i32
      %mul3A_15 = arith.muli %add3A, %mul3A_14 : i32
      %mul3A_16 = arith.constant 40 : i32
      %mul3A_17 = arith.muli %scan3A_13, %mul3A_16 : i32
      %add3A_18 = arith.addi %mul3A_15, %mul3A_17 : i32
      "tpu.region"() ({
        %run_scoped3A = tpu.sem_alloc : memref<!tpu.dma_semaphore, #tpu.memory_space<semaphore_mem>>
        %dma_start3A_30 = arith.constant 0 : i32
        %dma_start3A_31 = arith.constant 0 : i32
        %dma_start3A_32 = tpu.memref_slice %arg7[%dma_start3A_30, %dma_start3A_31] : memref<40x128xi32, #tpu.memory_space<vmem>> -> memref<40x128xi32, #tpu.memory_space<vmem>>
        %dma_start3A_33 = arith.constant 0 : i32
        %dma_start3A_34 = tpu.memref_slice %arg3[%add3A_18, %dma_start3A_33] : memref<2560x128xi32, #tpu.memory_space<hbm>> -> memref<40x128xi32, #tpu.memory_space<hbm>>
        %dma_start3A_35 = arith.constant 0 : i32
        %dma_start3A_36 = arith.constant 0 : i32
        %dma_start3A_37 = tpu.memref_slice %arg7[%dma_start3A_35, %dma_start3A_36] : memref<40x128xi32, #tpu.memory_space<vmem>> -> memref<40x128xi32, #tpu.memory_space<vmem>>
        %dma_start3A_38 = arith.constant 0 : i32
        %dma_start3A_39 = tpu.memref_slice %arg3[%add3A_18, %dma_start3A_38] : memref<2560x128xi32, #tpu.memory_space<hbm>> -> memref<40x128xi32, #tpu.memory_space<hbm>>
        tpu.enqueue_dma source(%dma_start3A_39 : memref<40x128xi32, #tpu.memory_space<hbm>>) target(%dma_start3A_37 : memref<40x128xi32, #tpu.memory_space<vmem>>) target_semaphore(%run_scoped3A : memref<!tpu.dma_semaphore, #tpu.memory_space<semaphore_mem>>)
        %dma_wait3A = arith.constant 0 : i32
        %dma_wait3A_40 = arith.constant 0 : i32
        %dma_wait3A_41 = tpu.memref_slice %arg7[%dma_wait3A, %dma_wait3A_40] : memref<40x128xi32, #tpu.memory_space<vmem>> -> memref<40x128xi32, #tpu.memory_space<vmem>>
        %dma_wait3A_42 = arith.constant 0 : i32
        %dma_wait3A_43 = tpu.memref_slice %arg3[%add3A_18, %dma_wait3A_42] : memref<2560x128xi32, #tpu.memory_space<hbm>> -> memref<40x128xi32, #tpu.memory_space<hbm>>
        %dma_wait3A_44 = arith.constant 0 : i32
        %dma_wait3A_45 = arith.constant 0 : i32
        %dma_wait3A_46 = tpu.memref_slice %arg7[%dma_wait3A_44, %dma_wait3A_45] : memref<40x128xi32, #tpu.memory_space<vmem>> -> memref<40x128xi32, #tpu.memory_space<vmem>>
        %dma_wait3A_47 = arith.constant 0 : i32
        %dma_wait3A_48 = tpu.memref_slice %arg3[%add3A_18, %dma_wait3A_47] : memref<2560x128xi32, #tpu.memory_space<hbm>> -> memref<40x128xi32, #tpu.memory_space<hbm>>
        tpu.wait_dma2 semaphore(%run_scoped3A : memref<!tpu.dma_semaphore, #tpu.memory_space<semaphore_mem>>) src(%dma_wait3A_48 : memref<40x128xi32, #tpu.memory_space<hbm>>) dst(%dma_wait3A_46 : memref<40x128xi32, #tpu.memory_space<vmem>>)
        tpu.yield
      }) : () -> ()
      "tpu.region"() ({
        %run_scoped3A = tpu.sem_alloc : memref<!tpu.dma_semaphore, #tpu.memory_space<semaphore_mem>>
        %dma_start3A_30 = arith.constant 0 : i32
        %dma_start3A_31 = arith.constant 0 : i32
        %dma_start3A_32 = tpu.memref_slice %arg8[%dma_start3A_30, %dma_start3A_31] : memref<40x128xi32, #tpu.memory_space<vmem>> -> memref<40x128xi32, #tpu.memory_space<vmem>>
        %dma_start3A_33 = arith.constant 0 : i32
        %dma_start3A_34 = tpu.memref_slice %arg4[%add3A_18, %dma_start3A_33] : memref<2560x128xi32, #tpu.memory_space<hbm>> -> memref<40x128xi32, #tpu.memory_space<hbm>>
        %dma_start3A_35 = arith.constant 0 : i32
        %dma_start3A_36 = arith.constant 0 : i32
        %dma_start3A_37 = tpu.memref_slice %arg8[%dma_start3A_35, %dma_start3A_36] : memref<40x128xi32, #tpu.memory_space<vmem>> -> memref<40x128xi32, #tpu.memory_space<vmem>>
        %dma_start3A_38 = arith.constant 0 : i32
        %dma_start3A_39 = tpu.memref_slice %arg4[%add3A_18, %dma_start3A_38] : memref<2560x128xi32, #tpu.memory_space<hbm>> -> memref<40x128xi32, #tpu.memory_space<hbm>>
        tpu.enqueue_dma source(%dma_start3A_39 : memref<40x128xi32, #tpu.memory_space<hbm>>) target(%dma_start3A_37 : memref<40x128xi32, #tpu.memory_space<vmem>>) target_semaphore(%run_scoped3A : memref<!tpu.dma_semaphore, #tpu.memory_space<semaphore_mem>>)
        %dma_wait3A = arith.constant 0 : i32
        %dma_wait3A_40 = arith.constant 0 : i32
        %dma_wait3A_41 = tpu.memref_slice %arg8[%dma_wait3A, %dma_wait3A_40] : memref<40x128xi32, #tpu.memory_space<vmem>> -> memref<40x128xi32, #tpu.memory_space<vmem>>
        %dma_wait3A_42 = arith.constant 0 : i32
        %dma_wait3A_43 = tpu.memref_slice %arg4[%add3A_18, %dma_wait3A_42] : memref<2560x128xi32, #tpu.memory_space<hbm>> -> memref<40x128xi32, #tpu.memory_space<hbm>>
        %dma_wait3A_44 = arith.constant 0 : i32
        %dma_wait3A_45 = arith.constant 0 : i32
        %dma_wait3A_46 = tpu.memref_slice %arg8[%dma_wait3A_44, %dma_wait3A_45] : memref<40x128xi32, #tpu.memory_space<vmem>> -> memref<40x128xi32, #tpu.memory_space<vmem>>
        %dma_wait3A_47 = arith.constant 0 : i32
        %dma_wait3A_48 = tpu.memref_slice %arg4[%add3A_18, %dma_wait3A_47] : memref<2560x128xi32, #tpu.memory_space<hbm>> -> memref<40x128xi32, #tpu.memory_space<hbm>>
        tpu.wait_dma2 semaphore(%run_scoped3A : memref<!tpu.dma_semaphore, #tpu.memory_space<semaphore_mem>>) src(%dma_wait3A_48 : memref<40x128xi32, #tpu.memory_space<hbm>>) dst(%dma_wait3A_46 : memref<40x128xi32, #tpu.memory_space<vmem>>)
        tpu.yield
      }) : () -> ()
      %dma_start3A = arith.constant 0 : i32
      %dma_start3A_19 = arith.constant 0 : i32
      %dma_start3A_20 = tpu.memref_slice %arg7[%dma_start3A, %dma_start3A_19] : memref<40x128xi32, #tpu.memory_space<vmem>> -> memref<1x128xi32, #tpu.memory_space<vmem>>
      %dma_start3A_21 = tpu.memref_squeeze %dma_start3A_20 : memref<1x128xi32, #tpu.memory_space<vmem>> -> memref<128xi32, #tpu.memory_space<vmem>>
      %dma_start3A_22 = arith.constant 0 : i32
      %dma_start3A_23 = arith.constant 0 : i32
      %dma_start3A_24 = tpu.memref_slice %arg2[%dma_start3A_22, %dma_start3A_23] : memref<10112x128xf32, #tpu.memory_space<hbm>> -> memref<10112x128xf32, #tpu.memory_space<hbm>>
      tpu.enqueue_indirect_dma source(%dma_start3A_24 : memref<10112x128xf32, #tpu.memory_space<hbm>>) target(%arg9 : memref<128x128xf32, #tpu.memory_space<vmem>>) offsets(%dma_start3A_21 : memref<128xi32, #tpu.memory_space<vmem>>) semaphore(%arg12 : memref<!tpu.dma_semaphore, #tpu.memory_space<semaphore_mem>>)
      %scan3A_25 = arith.constant 0 : i32
      %scan3A_26 = arith.constant 20 : i32
      %scan3A_27 = arith.addi %scan3A_25, %scan3A_26 : i32
      %scan3A_28 = arith.constant 1 : i32
      scf.for %scan3A_30 = %scan3A_25 to %scan3A_27 step %scan3A_28  : i32 {
        %mul3A_31 = arith.constant 2 : i32
        %mul3A_32 = arith.muli %mul3A_31, %scan3A_30 : i32
        %add3A_33 = arith.constant 1 : i32
        %add3A_34 = arith.addi %mul3A_32, %add3A_33 : i32
        %dma_start3A_35 = arith.constant 0 : i32
        %dma_start3A_36 = tpu.memref_slice %arg7[%add3A_34, %dma_start3A_35] : memref<40x128xi32, #tpu.memory_space<vmem>> -> memref<1x128xi32, #tpu.memory_space<vmem>>
        %dma_start3A_37 = tpu.memref_squeeze %dma_start3A_36 : memref<1x128xi32, #tpu.memory_space<vmem>> -> memref<128xi32, #tpu.memory_space<vmem>>
        %dma_start3A_38 = arith.constant 0 : i32
        %dma_start3A_39 = arith.constant 0 : i32
        %dma_start3A_40 = tpu.memref_slice %arg2[%dma_start3A_38, %dma_start3A_39] : memref<10112x128xf32, #tpu.memory_space<hbm>> -> memref<10112x128xf32, #tpu.memory_space<hbm>>
        tpu.enqueue_indirect_dma source(%dma_start3A_40 : memref<10112x128xf32, #tpu.memory_space<hbm>>) target(%arg10 : memref<128x128xf32, #tpu.memory_space<vmem>>) offsets(%dma_start3A_37 : memref<128xi32, #tpu.memory_space<vmem>>) semaphore(%arg13 : memref<!tpu.dma_semaphore, #tpu.memory_space<semaphore_mem>>)
        %dma_wait3A = arith.constant 0 : i32
        %dma_wait3A_41 = tpu.memref_slice %arg7[%mul3A_32, %dma_wait3A] : memref<40x128xi32, #tpu.memory_space<vmem>> -> memref<1x128xi32, #tpu.memory_space<vmem>>
        %dma_wait3A_42 = tpu.memref_squeeze %dma_wait3A_41 : memref<1x128xi32, #tpu.memory_space<vmem>> -> memref<128xi32, #tpu.memory_space<vmem>>
        %dma_wait3A_43 = arith.constant 0 : i32
        %dma_wait3A_44 = arith.constant 0 : i32
        %dma_wait3A_45 = tpu.memref_slice %arg2[%dma_wait3A_43, %dma_wait3A_44] : memref<10112x128xf32, #tpu.memory_space<hbm>> -> memref<10112x128xf32, #tpu.memory_space<hbm>>
        tpu.wait_indirect_dma semaphore(%arg12 : memref<!tpu.dma_semaphore, #tpu.memory_space<semaphore_mem>>) src(%dma_wait3A_45 : memref<10112x128xf32, #tpu.memory_space<hbm>>) dst(%arg9 : memref<128x128xf32, #tpu.memory_space<vmem>>)
        "tpu.region"() ({
          %run_scoped3A = tpu.sem_alloc : memref<!tpu.dma_semaphore, #tpu.memory_space<semaphore_mem>>
          %dma_start3A_54 = arith.constant 0 : i32
          %dma_start3A_55 = tpu.memref_slice %arg8[%mul3A_32, %dma_start3A_54] : memref<40x128xi32, #tpu.memory_space<vmem>> -> memref<1x128xi32, #tpu.memory_space<vmem>>
          %dma_start3A_56 = tpu.memref_squeeze %dma_start3A_55 : memref<1x128xi32, #tpu.memory_space<vmem>> -> memref<128xi32, #tpu.memory_space<vmem>>
          %dma_start3A_57 = arith.constant 0 : i32
          %dma_start3A_58 = arith.constant 0 : i32
          %dma_start3A_59 = tpu.memref_slice %arg11[%dma_start3A_57, %dma_start3A_58] : memref<10112x128xf32, #tpu.memory_space<vmem_shared>> -> memref<10112x128xf32, #tpu.memory_space<vmem_shared>>
          tpu.enqueue_indirect_dma source(%arg9 : memref<128x128xf32, #tpu.memory_space<vmem>>) target(%dma_start3A_59 : memref<10112x128xf32, #tpu.memory_space<vmem_shared>>) offsets(%dma_start3A_56 : memref<128xi32, #tpu.memory_space<vmem>>) semaphore(%run_scoped3A : memref<!tpu.dma_semaphore, #tpu.memory_space<semaphore_mem>>) {add = true}
          %dma_wait3A_60 = arith.constant 0 : i32
          %dma_wait3A_61 = tpu.memref_slice %arg8[%mul3A_32, %dma_wait3A_60] : memref<40x128xi32, #tpu.memory_space<vmem>> -> memref<1x128xi32, #tpu.memory_space<vmem>>
          %dma_wait3A_62 = tpu.memref_squeeze %dma_wait3A_61 : memref<1x128xi32, #tpu.memory_space<vmem>> -> memref<128xi32, #tpu.memory_space<vmem>>
          %dma_wait3A_63 = arith.constant 0 : i32
          %dma_wait3A_64 = arith.constant 0 : i32
          %dma_wait3A_65 = tpu.memref_slice %arg11[%dma_wait3A_63, %dma_wait3A_64] : memref<10112x128xf32, #tpu.memory_space<vmem_shared>> -> memref<10112x128xf32, #tpu.memory_space<vmem_shared>>
          tpu.wait_indirect_dma semaphore(%run_scoped3A : memref<!tpu.dma_semaphore, #tpu.memory_space<semaphore_mem>>) src(%arg9 : memref<128x128xf32, #tpu.memory_space<vmem>>) dst(%dma_wait3A_65 : memref<10112x128xf32, #tpu.memory_space<vmem_shared>>)
          tpu.yield
        }) : () -> ()
        %lt3A = arith.constant 19 : i32
        %lt3A_46 = arith.cmpi slt, %scan3A_30, %lt3A : i32
        %convert_element_type3A = arith.extui %lt3A_46 : i1 to i32
        %cond3A = arith.constant 0 : i32
        %cond3A_47 = arith.cmpi ne, %convert_element_type3A, %cond3A : i32
        scf.if %cond3A_47 {
          %add3A_54 = arith.constant 2 : i32
          %add3A_55 = arith.addi %mul3A_32, %add3A_54 : i32
          %dma_start3A_56 = arith.constant 0 : i32
          %dma_start3A_57 = tpu.memref_slice %arg7[%add3A_55, %dma_start3A_56] : memref<40x128xi32, #tpu.memory_space<vmem>> -> memref<1x128xi32, #tpu.memory_space<vmem>>
          %dma_start3A_58 = tpu.memref_squeeze %dma_start3A_57 : memref<1x128xi32, #tpu.memory_space<vmem>> -> memref<128xi32, #tpu.memory_space<vmem>>
          %dma_start3A_59 = arith.constant 0 : i32
          %dma_start3A_60 = arith.constant 0 : i32
          %dma_start3A_61 = tpu.memref_slice %arg2[%dma_start3A_59, %dma_start3A_60] : memref<10112x128xf32, #tpu.memory_space<hbm>> -> memref<10112x128xf32, #tpu.memory_space<hbm>>
          tpu.enqueue_indirect_dma source(%dma_start3A_61 : memref<10112x128xf32, #tpu.memory_space<hbm>>) target(%arg9 : memref<128x128xf32, #tpu.memory_space<vmem>>) offsets(%dma_start3A_58 : memref<128xi32, #tpu.memory_space<vmem>>) semaphore(%arg12 : memref<!tpu.dma_semaphore, #tpu.memory_space<semaphore_mem>>)
        } else {
        }
        %dma_wait3A_48 = arith.constant 0 : i32
        %dma_wait3A_49 = tpu.memref_slice %arg7[%add3A_34, %dma_wait3A_48] : memref<40x128xi32, #tpu.memory_space<vmem>> -> memref<1x128xi32, #tpu.memory_space<vmem>>
        %dma_wait3A_50 = tpu.memref_squeeze %dma_wait3A_49 : memref<1x128xi32, #tpu.memory_space<vmem>> -> memref<128xi32, #tpu.memory_space<vmem>>
        %dma_wait3A_51 = arith.constant 0 : i32
        %dma_wait3A_52 = arith.constant 0 : i32
        %dma_wait3A_53 = tpu.memref_slice %arg2[%dma_wait3A_51, %dma_wait3A_52] : memref<10112x128xf32, #tpu.memory_space<hbm>> -> memref<10112x128xf32, #tpu.memory_space<hbm>>
        tpu.wait_indirect_dma semaphore(%arg13 : memref<!tpu.dma_semaphore, #tpu.memory_space<semaphore_mem>>) src(%dma_wait3A_53 : memref<10112x128xf32, #tpu.memory_space<hbm>>) dst(%arg10 : memref<128x128xf32, #tpu.memory_space<vmem>>)
        "tpu.region"() ({
          %run_scoped3A = tpu.sem_alloc : memref<!tpu.dma_semaphore, #tpu.memory_space<semaphore_mem>>
          %dma_start3A_54 = arith.constant 0 : i32
          %dma_start3A_55 = tpu.memref_slice %arg8[%add3A_34, %dma_start3A_54] : memref<40x128xi32, #tpu.memory_space<vmem>> -> memref<1x128xi32, #tpu.memory_space<vmem>>
          %dma_start3A_56 = tpu.memref_squeeze %dma_start3A_55 : memref<1x128xi32, #tpu.memory_space<vmem>> -> memref<128xi32, #tpu.memory_space<vmem>>
          %dma_start3A_57 = arith.constant 0 : i32
          %dma_start3A_58 = arith.constant 0 : i32
          %dma_start3A_59 = tpu.memref_slice %arg11[%dma_start3A_57, %dma_start3A_58] : memref<10112x128xf32, #tpu.memory_space<vmem_shared>> -> memref<10112x128xf32, #tpu.memory_space<vmem_shared>>
          tpu.enqueue_indirect_dma source(%arg10 : memref<128x128xf32, #tpu.memory_space<vmem>>) target(%dma_start3A_59 : memref<10112x128xf32, #tpu.memory_space<vmem_shared>>) offsets(%dma_start3A_56 : memref<128xi32, #tpu.memory_space<vmem>>) semaphore(%run_scoped3A : memref<!tpu.dma_semaphore, #tpu.memory_space<semaphore_mem>>) {add = true}
          %dma_wait3A_60 = arith.constant 0 : i32
          %dma_wait3A_61 = tpu.memref_slice %arg8[%add3A_34, %dma_wait3A_60] : memref<40x128xi32, #tpu.memory_space<vmem>> -> memref<1x128xi32, #tpu.memory_space<vmem>>
          %dma_wait3A_62 = tpu.memref_squeeze %dma_wait3A_61 : memref<1x128xi32, #tpu.memory_space<vmem>> -> memref<128xi32, #tpu.memory_space<vmem>>
          %dma_wait3A_63 = arith.constant 0 : i32
          %dma_wait3A_64 = arith.constant 0 : i32
          %dma_wait3A_65 = tpu.memref_slice %arg11[%dma_wait3A_63, %dma_wait3A_64] : memref<10112x128xf32, #tpu.memory_space<vmem_shared>> -> memref<10112x128xf32, #tpu.memory_space<vmem_shared>>
          tpu.wait_indirect_dma semaphore(%run_scoped3A : memref<!tpu.dma_semaphore, #tpu.memory_space<semaphore_mem>>) src(%arg10 : memref<128x128xf32, #tpu.memory_space<vmem>>) dst(%dma_wait3A_65 : memref<10112x128xf32, #tpu.memory_space<vmem_shared>>)
          tpu.yield
        }) : () -> ()
      }
      %scan3A_29 = arith.constant 20 : i32
    }
    %scan3A_7 = arith.constant 2 : i32
    %barrier3A_8 = arith.constant 0 : index
    tpu.barrier barrier_id(%barrier3A_8)
    %mul3A_9 = arith.constant 632 : i32
    %mul3A_10 = arith.muli %arg1, %mul3A_9 : i32
    %mul3A_11 = arith.constant 632 : i32
    %mul3A_12 = arith.muli %arg1, %mul3A_11 : i32
    "tpu.region"() ({
      %run_scoped3A = tpu.sem_alloc : memref<!tpu.dma_semaphore, #tpu.memory_space<semaphore_mem>>
      %dma_start3A = arith.constant 0 : i32
      %dma_start3A_13 = tpu.memref_slice %arg6[%arg0, %mul3A_12, %dma_start3A] : memref<2x10112x128xf32, #tpu.memory_space<hbm>> -> memref<1x632x128xf32, #tpu.memory_space<hbm>>
      %dma_start3A_14 = tpu.memref_squeeze %dma_start3A_13 : memref<1x632x128xf32, #tpu.memory_space<hbm>> -> memref<632x128xf32, #tpu.memory_space<hbm>>
      %dma_start3A_15 = arith.constant 0 : i32
      %dma_start3A_16 = tpu.memref_slice %arg11[%mul3A_10, %dma_start3A_15] : memref<10112x128xf32, #tpu.memory_space<vmem_shared>> -> memref<632x128xf32, #tpu.memory_space<vmem_shared>>
      tpu.enqueue_dma source(%dma_start3A_16 : memref<632x128xf32, #tpu.memory_space<vmem_shared>>) target(%dma_start3A_14 : memref<632x128xf32, #tpu.memory_space<hbm>>) target_semaphore(%run_scoped3A : memref<!tpu.dma_semaphore, #tpu.memory_space<semaphore_mem>>)
      %dma_wait3A = arith.constant 0 : i32
      %dma_wait3A_17 = tpu.memref_slice %arg6[%arg0, %mul3A_12, %dma_wait3A] : memref<2x10112x128xf32, #tpu.memory_space<hbm>> -> memref<1x632x128xf32, #tpu.memory_space<hbm>>
      %dma_wait3A_18 = tpu.memref_squeeze %dma_wait3A_17 : memref<1x632x128xf32, #tpu.memory_space<hbm>> -> memref<632x128xf32, #tpu.memory_space<hbm>>
      %dma_wait3A_19 = arith.constant 0 : i32
      %dma_wait3A_20 = tpu.memref_slice %arg11[%mul3A_10, %dma_wait3A_19] : memref<10112x128xf32, #tpu.memory_space<vmem_shared>> -> memref<632x128xf32, #tpu.memory_space<vmem_shared>>
      tpu.wait_dma2 semaphore(%run_scoped3A : memref<!tpu.dma_semaphore, #tpu.memory_space<semaphore_mem>>) src(%dma_wait3A_20 : memref<632x128xf32, #tpu.memory_space<vmem_shared>>) dst(%dma_wait3A_18 : memref<632x128xf32, #tpu.memory_space<hbm>>)
      tpu.yield
    }) : () -> ()
    return
  }
}

#map = affine_map<(d0, d1) -> (0, 0)>
#map1 = affine_map<(d0, d1) -> (0, 0, 0)>
module attributes {stable_mosaic.version = 14 : i64} {
  func.func @_sc_degree(%arg0: i32, %arg1: i32, %arg2: memref<2560x128xi32, #tpu.memory_space<hbm>>, %arg3: memref<128x128xf32, #tpu.memory_space<hbm>>, %arg4: memref<632x128xf32, #tpu.memory_space<hbm>>, %arg5: memref<2x10112x128xf32, #tpu.memory_space<hbm>>, %arg6: memref<80x128xi32, #tpu.memory_space<vmem>>, %arg7: memref<128x128xf32, #tpu.memory_space<vmem>>, %arg8: memref<10112x128xf32, #tpu.memory_space<vmem_shared>>, %arg9: memref<!tpu.dma_semaphore, #tpu.memory_space<semaphore_mem>>) attributes {dimension_semantics = [#tpu.dimension_semantics<core_parallel>, #tpu.dimension_semantics<subcore_parallel>], iteration_bounds = array<i64: 2, 16>, scalar_prefetch = 0 : i64, scratch_operands = 4 : i64, tpu.core_type = #tpu.core_type<sc_vector_subcore>, window_params = [{transform_indices = #map}, {transform_indices = #map}, {transform_indices = #map}, {transform_indices = #map1}]} {
    %mul3A = arith.constant 16 : i32
    %mul3A_0 = arith.muli %arg0, %mul3A : i32
    %add3A = arith.addi %mul3A_0, %arg1 : i32
    %mul3A_1 = arith.constant 632 : i32
    %mul3A_2 = arith.muli %arg1, %mul3A_1 : i32
    "tpu.region"() ({
      %run_scoped3A = tpu.sem_alloc : memref<!tpu.dma_semaphore, #tpu.memory_space<semaphore_mem>>
      %dma_start3A = arith.constant 0 : i32
      %dma_start3A_15 = tpu.memref_slice %arg8[%mul3A_2, %dma_start3A] : memref<10112x128xf32, #tpu.memory_space<vmem_shared>> -> memref<632x128xf32, #tpu.memory_space<vmem_shared>>
      tpu.enqueue_dma source(%arg4 : memref<632x128xf32, #tpu.memory_space<hbm>>) target(%dma_start3A_15 : memref<632x128xf32, #tpu.memory_space<vmem_shared>>) target_semaphore(%run_scoped3A : memref<!tpu.dma_semaphore, #tpu.memory_space<semaphore_mem>>)
      %dma_wait3A = arith.constant 0 : i32
      %dma_wait3A_16 = tpu.memref_slice %arg8[%mul3A_2, %dma_wait3A] : memref<10112x128xf32, #tpu.memory_space<vmem_shared>> -> memref<632x128xf32, #tpu.memory_space<vmem_shared>>
      tpu.wait_dma2 semaphore(%run_scoped3A : memref<!tpu.dma_semaphore, #tpu.memory_space<semaphore_mem>>) src(%arg4 : memref<632x128xf32, #tpu.memory_space<hbm>>) dst(%dma_wait3A_16 : memref<632x128xf32, #tpu.memory_space<vmem_shared>>)
      tpu.yield
    }) : () -> ()
    "tpu.region"() ({
      %run_scoped3A = tpu.sem_alloc : memref<!tpu.dma_semaphore, #tpu.memory_space<semaphore_mem>>
      tpu.enqueue_dma source(%arg3 : memref<128x128xf32, #tpu.memory_space<hbm>>) target(%arg7 : memref<128x128xf32, #tpu.memory_space<vmem>>) target_semaphore(%run_scoped3A : memref<!tpu.dma_semaphore, #tpu.memory_space<semaphore_mem>>)
      tpu.wait_dma2 semaphore(%run_scoped3A : memref<!tpu.dma_semaphore, #tpu.memory_space<semaphore_mem>>) src(%arg3 : memref<128x128xf32, #tpu.memory_space<hbm>>) dst(%arg7 : memref<128x128xf32, #tpu.memory_space<vmem>>)
      tpu.yield
    }) : () -> ()
    %mul3A_3 = arith.constant 80 : i32
    %mul3A_4 = arith.muli %add3A, %mul3A_3 : i32
    "tpu.region"() ({
      %run_scoped3A = tpu.sem_alloc : memref<!tpu.dma_semaphore, #tpu.memory_space<semaphore_mem>>
      %dma_start3A = arith.constant 0 : i32
      %dma_start3A_15 = tpu.memref_slice %arg2[%mul3A_4, %dma_start3A] : memref<2560x128xi32, #tpu.memory_space<hbm>> -> memref<80x128xi32, #tpu.memory_space<hbm>>
      %dma_start3A_16 = arith.constant 0 : i32
      %dma_start3A_17 = tpu.memref_slice %arg2[%mul3A_4, %dma_start3A_16] : memref<2560x128xi32, #tpu.memory_space<hbm>> -> memref<80x128xi32, #tpu.memory_space<hbm>>
      tpu.enqueue_dma source(%dma_start3A_17 : memref<80x128xi32, #tpu.memory_space<hbm>>) target(%arg6 : memref<80x128xi32, #tpu.memory_space<vmem>>) target_semaphore(%run_scoped3A : memref<!tpu.dma_semaphore, #tpu.memory_space<semaphore_mem>>)
      %dma_wait3A = arith.constant 0 : i32
      %dma_wait3A_18 = tpu.memref_slice %arg2[%mul3A_4, %dma_wait3A] : memref<2560x128xi32, #tpu.memory_space<hbm>> -> memref<80x128xi32, #tpu.memory_space<hbm>>
      %dma_wait3A_19 = arith.constant 0 : i32
      %dma_wait3A_20 = tpu.memref_slice %arg2[%mul3A_4, %dma_wait3A_19] : memref<2560x128xi32, #tpu.memory_space<hbm>> -> memref<80x128xi32, #tpu.memory_space<hbm>>
      tpu.wait_dma2 semaphore(%run_scoped3A : memref<!tpu.dma_semaphore, #tpu.memory_space<semaphore_mem>>) src(%dma_wait3A_20 : memref<80x128xi32, #tpu.memory_space<hbm>>) dst(%arg6 : memref<80x128xi32, #tpu.memory_space<vmem>>)
      tpu.yield
    }) : () -> ()
    %barrier3A = arith.constant 0 : index
    tpu.barrier barrier_id(%barrier3A)
    %scan3A = arith.constant 0 : i32
    %scan3A_5 = arith.constant 0 : i32
    %scan3A_6 = arith.constant 5 : i32
    %scan3A_7 = arith.addi %scan3A_5, %scan3A_6 : i32
    %scan3A_8 = arith.constant 1 : i32
    scf.for %scan3A_15 = %scan3A_5 to %scan3A_7 step %scan3A_8  : i32 {
      %scan3A_16 = arith.constant 0 : i32
      %scan3A_17 = arith.constant 16 : i32
      %scan3A_18 = arith.addi %scan3A_16, %scan3A_17 : i32
      %scan3A_19 = arith.constant 1 : i32
      scf.for %scan3A_26 = %scan3A_16 to %scan3A_18 step %scan3A_19  : i32 {
        %mul3A_27 = arith.constant 16 : i32
        %mul3A_28 = arith.muli %scan3A_15, %mul3A_27 : i32
        %add3A_29 = arith.addi %mul3A_28, %scan3A_26 : i32
        %dma_start3A = arith.constant 0 : i32
        %dma_start3A_30 = tpu.memref_slice %arg6[%add3A_29, %dma_start3A] : memref<80x128xi32, #tpu.memory_space<vmem>> -> memref<1x128xi32, #tpu.memory_space<vmem>>
        %dma_start3A_31 = tpu.memref_squeeze %dma_start3A_30 : memref<1x128xi32, #tpu.memory_space<vmem>> -> memref<128xi32, #tpu.memory_space<vmem>>
        %dma_start3A_32 = arith.constant 0 : i32
        %dma_start3A_33 = arith.constant 0 : i32
        %dma_start3A_34 = tpu.memref_slice %arg8[%dma_start3A_32, %dma_start3A_33] : memref<10112x128xf32, #tpu.memory_space<vmem_shared>> -> memref<10112x128xf32, #tpu.memory_space<vmem_shared>>
        tpu.enqueue_indirect_dma source(%arg7 : memref<128x128xf32, #tpu.memory_space<vmem>>) target(%dma_start3A_34 : memref<10112x128xf32, #tpu.memory_space<vmem_shared>>) offsets(%dma_start3A_31 : memref<128xi32, #tpu.memory_space<vmem>>) semaphore(%arg9 : memref<!tpu.dma_semaphore, #tpu.memory_space<semaphore_mem>>) {add = true}
      }
      %scan3A_20 = arith.constant 16 : i32
      %scan3A_21 = arith.constant 0 : i32
      %scan3A_22 = arith.constant 16 : i32
      %scan3A_23 = arith.addi %scan3A_21, %scan3A_22 : i32
      %scan3A_24 = arith.constant 1 : i32
      scf.for %scan3A_26 = %scan3A_21 to %scan3A_23 step %scan3A_24  : i32 {
        %mul3A_27 = arith.constant 16 : i32
        %mul3A_28 = arith.muli %scan3A_15, %mul3A_27 : i32
        %add3A_29 = arith.addi %mul3A_28, %scan3A_26 : i32
        %dma_wait3A = arith.constant 0 : i32
        %dma_wait3A_30 = tpu.memref_slice %arg6[%add3A_29, %dma_wait3A] : memref<80x128xi32, #tpu.memory_space<vmem>> -> memref<1x128xi32, #tpu.memory_space<vmem>>
        %dma_wait3A_31 = tpu.memref_squeeze %dma_wait3A_30 : memref<1x128xi32, #tpu.memory_space<vmem>> -> memref<128xi32, #tpu.memory_space<vmem>>
        %dma_wait3A_32 = arith.constant 0 : i32
        %dma_wait3A_33 = arith.constant 0 : i32
        %dma_wait3A_34 = tpu.memref_slice %arg8[%dma_wait3A_32, %dma_wait3A_33] : memref<10112x128xf32, #tpu.memory_space<vmem_shared>> -> memref<10112x128xf32, #tpu.memory_space<vmem_shared>>
        tpu.wait_indirect_dma semaphore(%arg9 : memref<!tpu.dma_semaphore, #tpu.memory_space<semaphore_mem>>) src(%arg7 : memref<128x128xf32, #tpu.memory_space<vmem>>) dst(%dma_wait3A_34 : memref<10112x128xf32, #tpu.memory_space<vmem_shared>>)
      }
      %scan3A_25 = arith.constant 16 : i32
    }
    %scan3A_9 = arith.constant 5 : i32
    %barrier3A_10 = arith.constant 0 : index
    tpu.barrier barrier_id(%barrier3A_10)
    %mul3A_11 = arith.constant 632 : i32
    %mul3A_12 = arith.muli %arg1, %mul3A_11 : i32
    %mul3A_13 = arith.constant 632 : i32
    %mul3A_14 = arith.muli %arg1, %mul3A_13 : i32
    "tpu.region"() ({
      %run_scoped3A = tpu.sem_alloc : memref<!tpu.dma_semaphore, #tpu.memory_space<semaphore_mem>>
      %dma_start3A = arith.constant 0 : i32
      %dma_start3A_15 = tpu.memref_slice %arg5[%arg0, %mul3A_14, %dma_start3A] : memref<2x10112x128xf32, #tpu.memory_space<hbm>> -> memref<1x632x128xf32, #tpu.memory_space<hbm>>
      %dma_start3A_16 = tpu.memref_squeeze %dma_start3A_15 : memref<1x632x128xf32, #tpu.memory_space<hbm>> -> memref<632x128xf32, #tpu.memory_space<hbm>>
      %dma_start3A_17 = arith.constant 0 : i32
      %dma_start3A_18 = tpu.memref_slice %arg8[%mul3A_12, %dma_start3A_17] : memref<10112x128xf32, #tpu.memory_space<vmem_shared>> -> memref<632x128xf32, #tpu.memory_space<vmem_shared>>
      tpu.enqueue_dma source(%dma_start3A_18 : memref<632x128xf32, #tpu.memory_space<vmem_shared>>) target(%dma_start3A_16 : memref<632x128xf32, #tpu.memory_space<hbm>>) target_semaphore(%run_scoped3A : memref<!tpu.dma_semaphore, #tpu.memory_space<semaphore_mem>>)
      %dma_wait3A = arith.constant 0 : i32
      %dma_wait3A_19 = tpu.memref_slice %arg5[%arg0, %mul3A_14, %dma_wait3A] : memref<2x10112x128xf32, #tpu.memory_space<hbm>> -> memref<1x632x128xf32, #tpu.memory_space<hbm>>
      %dma_wait3A_20 = tpu.memref_squeeze %dma_wait3A_19 : memref<1x632x128xf32, #tpu.memory_space<hbm>> -> memref<632x128xf32, #tpu.memory_space<hbm>>
      %dma_wait3A_21 = arith.constant 0 : i32
      %dma_wait3A_22 = tpu.memref_slice %arg8[%mul3A_12, %dma_wait3A_21] : memref<10112x128xf32, #tpu.memory_space<vmem_shared>> -> memref<632x128xf32, #tpu.memory_space<vmem_shared>>
      tpu.wait_dma2 semaphore(%run_scoped3A : memref<!tpu.dma_semaphore, #tpu.memory_space<semaphore_mem>>) src(%dma_wait3A_22 : memref<632x128xf32, #tpu.memory_space<vmem_shared>>) dst(%dma_wait3A_20 : memref<632x128xf32, #tpu.memory_space<hbm>>)
      tpu.yield
    }) : () -> ()
    return
  }
}

#map = affine_map<(d0, d1) -> (0, 0)>
#map1 = affine_map<(d0, d1) -> (0, 0, 0)>
module attributes {stable_mosaic.version = 14 : i64} {
  func.func @_sc_scatter(%arg0: i32, %arg1: i32, %arg2: memref<10112x128xf32, #tpu.memory_space<hbm>>, %arg3: memref<2560x128xi32, #tpu.memory_space<hbm>>, %arg4: memref<2560x128xi32, #tpu.memory_space<hbm>>, %arg5: memref<632x128xf32, #tpu.memory_space<hbm>>, %arg6: memref<2x10112x128xf32, #tpu.memory_space<hbm>>, %arg7: memref<40x128xi32, #tpu.memory_space<vmem>>, %arg8: memref<40x128xi32, #tpu.memory_space<vmem>>, %arg9: memref<128x128xf32, #tpu.memory_space<vmem>>, %arg10: memref<128x128xf32, #tpu.memory_space<vmem>>, %arg11: memref<10112x128xf32, #tpu.memory_space<vmem_shared>>, %arg12: memref<!tpu.dma_semaphore, #tpu.memory_space<semaphore_mem>>, %arg13: memref<!tpu.dma_semaphore, #tpu.memory_space<semaphore_mem>>) attributes {dimension_semantics = [#tpu.dimension_semantics<core_parallel>, #tpu.dimension_semantics<subcore_parallel>], iteration_bounds = array<i64: 2, 16>, scalar_prefetch = 0 : i64, scratch_operands = 7 : i64, tpu.core_type = #tpu.core_type<sc_vector_subcore>, window_params = [{transform_indices = #map}, {transform_indices = #map}, {transform_indices = #map}, {transform_indices = #map}, {transform_indices = #map1}]} {
    %mul3A = arith.constant 632 : i32
    %mul3A_0 = arith.muli %arg1, %mul3A : i32
    "tpu.region"() ({
      %run_scoped3A = tpu.sem_alloc : memref<!tpu.dma_semaphore, #tpu.memory_space<semaphore_mem>>
      %dma_start3A = arith.constant 0 : i32
      %dma_start3A_13 = tpu.memref_slice %arg11[%mul3A_0, %dma_start3A] : memref<10112x128xf32, #tpu.memory_space<vmem_shared>> -> memref<632x128xf32, #tpu.memory_space<vmem_shared>>
      tpu.enqueue_dma source(%arg5 : memref<632x128xf32, #tpu.memory_space<hbm>>) target(%dma_start3A_13 : memref<632x128xf32, #tpu.memory_space<vmem_shared>>) target_semaphore(%run_scoped3A : memref<!tpu.dma_semaphore, #tpu.memory_space<semaphore_mem>>)
      %dma_wait3A = arith.constant 0 : i32
      %dma_wait3A_14 = tpu.memref_slice %arg11[%mul3A_0, %dma_wait3A] : memref<10112x128xf32, #tpu.memory_space<vmem_shared>> -> memref<632x128xf32, #tpu.memory_space<vmem_shared>>
      tpu.wait_dma2 semaphore(%run_scoped3A : memref<!tpu.dma_semaphore, #tpu.memory_space<semaphore_mem>>) src(%arg5 : memref<632x128xf32, #tpu.memory_space<hbm>>) dst(%dma_wait3A_14 : memref<632x128xf32, #tpu.memory_space<vmem_shared>>)
      tpu.yield
    }) : () -> ()
    %barrier3A = arith.constant 0 : index
    tpu.barrier barrier_id(%barrier3A)
    %mul3A_1 = arith.constant 16 : i32
    %mul3A_2 = arith.muli %arg0, %mul3A_1 : i32
    %add3A = arith.addi %mul3A_2, %arg1 : i32
    %scan3A = arith.constant 0 : i32
    %scan3A_3 = arith.constant 0 : i32
    %scan3A_4 = arith.constant 2 : i32
    %scan3A_5 = arith.addi %scan3A_3, %scan3A_4 : i32
    %scan3A_6 = arith.constant 1 : i32
    scf.for %scan3A_13 = %scan3A_3 to %scan3A_5 step %scan3A_6  : i32 {
      %mul3A_14 = arith.constant 80 : i32
      %mul3A_15 = arith.muli %add3A, %mul3A_14 : i32
      %mul3A_16 = arith.constant 40 : i32
      %mul3A_17 = arith.muli %scan3A_13, %mul3A_16 : i32
      %add3A_18 = arith.addi %mul3A_15, %mul3A_17 : i32
      "tpu.region"() ({
        %run_scoped3A = tpu.sem_alloc : memref<!tpu.dma_semaphore, #tpu.memory_space<semaphore_mem>>
        %dma_start3A_30 = arith.constant 0 : i32
        %dma_start3A_31 = arith.constant 0 : i32
        %dma_start3A_32 = tpu.memref_slice %arg7[%dma_start3A_30, %dma_start3A_31] : memref<40x128xi32, #tpu.memory_space<vmem>> -> memref<40x128xi32, #tpu.memory_space<vmem>>
        %dma_start3A_33 = arith.constant 0 : i32
        %dma_start3A_34 = tpu.memref_slice %arg3[%add3A_18, %dma_start3A_33] : memref<2560x128xi32, #tpu.memory_space<hbm>> -> memref<40x128xi32, #tpu.memory_space<hbm>>
        %dma_start3A_35 = arith.constant 0 : i32
        %dma_start3A_36 = arith.constant 0 : i32
        %dma_start3A_37 = tpu.memref_slice %arg7[%dma_start3A_35, %dma_start3A_36] : memref<40x128xi32, #tpu.memory_space<vmem>> -> memref<40x128xi32, #tpu.memory_space<vmem>>
        %dma_start3A_38 = arith.constant 0 : i32
        %dma_start3A_39 = tpu.memref_slice %arg3[%add3A_18, %dma_start3A_38] : memref<2560x128xi32, #tpu.memory_space<hbm>> -> memref<40x128xi32, #tpu.memory_space<hbm>>
        tpu.enqueue_dma source(%dma_start3A_39 : memref<40x128xi32, #tpu.memory_space<hbm>>) target(%dma_start3A_37 : memref<40x128xi32, #tpu.memory_space<vmem>>) target_semaphore(%run_scoped3A : memref<!tpu.dma_semaphore, #tpu.memory_space<semaphore_mem>>)
        %dma_wait3A = arith.constant 0 : i32
        %dma_wait3A_40 = arith.constant 0 : i32
        %dma_wait3A_41 = tpu.memref_slice %arg7[%dma_wait3A, %dma_wait3A_40] : memref<40x128xi32, #tpu.memory_space<vmem>> -> memref<40x128xi32, #tpu.memory_space<vmem>>
        %dma_wait3A_42 = arith.constant 0 : i32
        %dma_wait3A_43 = tpu.memref_slice %arg3[%add3A_18, %dma_wait3A_42] : memref<2560x128xi32, #tpu.memory_space<hbm>> -> memref<40x128xi32, #tpu.memory_space<hbm>>
        %dma_wait3A_44 = arith.constant 0 : i32
        %dma_wait3A_45 = arith.constant 0 : i32
        %dma_wait3A_46 = tpu.memref_slice %arg7[%dma_wait3A_44, %dma_wait3A_45] : memref<40x128xi32, #tpu.memory_space<vmem>> -> memref<40x128xi32, #tpu.memory_space<vmem>>
        %dma_wait3A_47 = arith.constant 0 : i32
        %dma_wait3A_48 = tpu.memref_slice %arg3[%add3A_18, %dma_wait3A_47] : memref<2560x128xi32, #tpu.memory_space<hbm>> -> memref<40x128xi32, #tpu.memory_space<hbm>>
        tpu.wait_dma2 semaphore(%run_scoped3A : memref<!tpu.dma_semaphore, #tpu.memory_space<semaphore_mem>>) src(%dma_wait3A_48 : memref<40x128xi32, #tpu.memory_space<hbm>>) dst(%dma_wait3A_46 : memref<40x128xi32, #tpu.memory_space<vmem>>)
        tpu.yield
      }) : () -> ()
      "tpu.region"() ({
        %run_scoped3A = tpu.sem_alloc : memref<!tpu.dma_semaphore, #tpu.memory_space<semaphore_mem>>
        %dma_start3A_30 = arith.constant 0 : i32
        %dma_start3A_31 = arith.constant 0 : i32
        %dma_start3A_32 = tpu.memref_slice %arg8[%dma_start3A_30, %dma_start3A_31] : memref<40x128xi32, #tpu.memory_space<vmem>> -> memref<40x128xi32, #tpu.memory_space<vmem>>
        %dma_start3A_33 = arith.constant 0 : i32
        %dma_start3A_34 = tpu.memref_slice %arg4[%add3A_18, %dma_start3A_33] : memref<2560x128xi32, #tpu.memory_space<hbm>> -> memref<40x128xi32, #tpu.memory_space<hbm>>
        %dma_start3A_35 = arith.constant 0 : i32
        %dma_start3A_36 = arith.constant 0 : i32
        %dma_start3A_37 = tpu.memref_slice %arg8[%dma_start3A_35, %dma_start3A_36] : memref<40x128xi32, #tpu.memory_space<vmem>> -> memref<40x128xi32, #tpu.memory_space<vmem>>
        %dma_start3A_38 = arith.constant 0 : i32
        %dma_start3A_39 = tpu.memref_slice %arg4[%add3A_18, %dma_start3A_38] : memref<2560x128xi32, #tpu.memory_space<hbm>> -> memref<40x128xi32, #tpu.memory_space<hbm>>
        tpu.enqueue_dma source(%dma_start3A_39 : memref<40x128xi32, #tpu.memory_space<hbm>>) target(%dma_start3A_37 : memref<40x128xi32, #tpu.memory_space<vmem>>) target_semaphore(%run_scoped3A : memref<!tpu.dma_semaphore, #tpu.memory_space<semaphore_mem>>)
        %dma_wait3A = arith.constant 0 : i32
        %dma_wait3A_40 = arith.constant 0 : i32
        %dma_wait3A_41 = tpu.memref_slice %arg8[%dma_wait3A, %dma_wait3A_40] : memref<40x128xi32, #tpu.memory_space<vmem>> -> memref<40x128xi32, #tpu.memory_space<vmem>>
        %dma_wait3A_42 = arith.constant 0 : i32
        %dma_wait3A_43 = tpu.memref_slice %arg4[%add3A_18, %dma_wait3A_42] : memref<2560x128xi32, #tpu.memory_space<hbm>> -> memref<40x128xi32, #tpu.memory_space<hbm>>
        %dma_wait3A_44 = arith.constant 0 : i32
        %dma_wait3A_45 = arith.constant 0 : i32
        %dma_wait3A_46 = tpu.memref_slice %arg8[%dma_wait3A_44, %dma_wait3A_45] : memref<40x128xi32, #tpu.memory_space<vmem>> -> memref<40x128xi32, #tpu.memory_space<vmem>>
        %dma_wait3A_47 = arith.constant 0 : i32
        %dma_wait3A_48 = tpu.memref_slice %arg4[%add3A_18, %dma_wait3A_47] : memref<2560x128xi32, #tpu.memory_space<hbm>> -> memref<40x128xi32, #tpu.memory_space<hbm>>
        tpu.wait_dma2 semaphore(%run_scoped3A : memref<!tpu.dma_semaphore, #tpu.memory_space<semaphore_mem>>) src(%dma_wait3A_48 : memref<40x128xi32, #tpu.memory_space<hbm>>) dst(%dma_wait3A_46 : memref<40x128xi32, #tpu.memory_space<vmem>>)
        tpu.yield
      }) : () -> ()
      %dma_start3A = arith.constant 0 : i32
      %dma_start3A_19 = arith.constant 0 : i32
      %dma_start3A_20 = tpu.memref_slice %arg7[%dma_start3A, %dma_start3A_19] : memref<40x128xi32, #tpu.memory_space<vmem>> -> memref<1x128xi32, #tpu.memory_space<vmem>>
      %dma_start3A_21 = tpu.memref_squeeze %dma_start3A_20 : memref<1x128xi32, #tpu.memory_space<vmem>> -> memref<128xi32, #tpu.memory_space<vmem>>
      %dma_start3A_22 = arith.constant 0 : i32
      %dma_start3A_23 = arith.constant 0 : i32
      %dma_start3A_24 = tpu.memref_slice %arg2[%dma_start3A_22, %dma_start3A_23] : memref<10112x128xf32, #tpu.memory_space<hbm>> -> memref<10112x128xf32, #tpu.memory_space<hbm>>
      tpu.enqueue_indirect_dma source(%dma_start3A_24 : memref<10112x128xf32, #tpu.memory_space<hbm>>) target(%arg9 : memref<128x128xf32, #tpu.memory_space<vmem>>) offsets(%dma_start3A_21 : memref<128xi32, #tpu.memory_space<vmem>>) semaphore(%arg12 : memref<!tpu.dma_semaphore, #tpu.memory_space<semaphore_mem>>)
      %scan3A_25 = arith.constant 0 : i32
      %scan3A_26 = arith.constant 20 : i32
      %scan3A_27 = arith.addi %scan3A_25, %scan3A_26 : i32
      %scan3A_28 = arith.constant 1 : i32
      scf.for %scan3A_30 = %scan3A_25 to %scan3A_27 step %scan3A_28  : i32 {
        %mul3A_31 = arith.constant 2 : i32
        %mul3A_32 = arith.muli %mul3A_31, %scan3A_30 : i32
        %add3A_33 = arith.constant 1 : i32
        %add3A_34 = arith.addi %mul3A_32, %add3A_33 : i32
        %dma_start3A_35 = arith.constant 0 : i32
        %dma_start3A_36 = tpu.memref_slice %arg7[%add3A_34, %dma_start3A_35] : memref<40x128xi32, #tpu.memory_space<vmem>> -> memref<1x128xi32, #tpu.memory_space<vmem>>
        %dma_start3A_37 = tpu.memref_squeeze %dma_start3A_36 : memref<1x128xi32, #tpu.memory_space<vmem>> -> memref<128xi32, #tpu.memory_space<vmem>>
        %dma_start3A_38 = arith.constant 0 : i32
        %dma_start3A_39 = arith.constant 0 : i32
        %dma_start3A_40 = tpu.memref_slice %arg2[%dma_start3A_38, %dma_start3A_39] : memref<10112x128xf32, #tpu.memory_space<hbm>> -> memref<10112x128xf32, #tpu.memory_space<hbm>>
        tpu.enqueue_indirect_dma source(%dma_start3A_40 : memref<10112x128xf32, #tpu.memory_space<hbm>>) target(%arg10 : memref<128x128xf32, #tpu.memory_space<vmem>>) offsets(%dma_start3A_37 : memref<128xi32, #tpu.memory_space<vmem>>) semaphore(%arg13 : memref<!tpu.dma_semaphore, #tpu.memory_space<semaphore_mem>>)
        %dma_wait3A = arith.constant 0 : i32
        %dma_wait3A_41 = tpu.memref_slice %arg7[%mul3A_32, %dma_wait3A] : memref<40x128xi32, #tpu.memory_space<vmem>> -> memref<1x128xi32, #tpu.memory_space<vmem>>
        %dma_wait3A_42 = tpu.memref_squeeze %dma_wait3A_41 : memref<1x128xi32, #tpu.memory_space<vmem>> -> memref<128xi32, #tpu.memory_space<vmem>>
        %dma_wait3A_43 = arith.constant 0 : i32
        %dma_wait3A_44 = arith.constant 0 : i32
        %dma_wait3A_45 = tpu.memref_slice %arg2[%dma_wait3A_43, %dma_wait3A_44] : memref<10112x128xf32, #tpu.memory_space<hbm>> -> memref<10112x128xf32, #tpu.memory_space<hbm>>
        tpu.wait_indirect_dma semaphore(%arg12 : memref<!tpu.dma_semaphore, #tpu.memory_space<semaphore_mem>>) src(%dma_wait3A_45 : memref<10112x128xf32, #tpu.memory_space<hbm>>) dst(%arg9 : memref<128x128xf32, #tpu.memory_space<vmem>>)
        "tpu.region"() ({
          %run_scoped3A = tpu.sem_alloc : memref<!tpu.dma_semaphore, #tpu.memory_space<semaphore_mem>>
          %dma_start3A_54 = arith.constant 0 : i32
          %dma_start3A_55 = tpu.memref_slice %arg8[%mul3A_32, %dma_start3A_54] : memref<40x128xi32, #tpu.memory_space<vmem>> -> memref<1x128xi32, #tpu.memory_space<vmem>>
          %dma_start3A_56 = tpu.memref_squeeze %dma_start3A_55 : memref<1x128xi32, #tpu.memory_space<vmem>> -> memref<128xi32, #tpu.memory_space<vmem>>
          %dma_start3A_57 = arith.constant 0 : i32
          %dma_start3A_58 = arith.constant 0 : i32
          %dma_start3A_59 = tpu.memref_slice %arg11[%dma_start3A_57, %dma_start3A_58] : memref<10112x128xf32, #tpu.memory_space<vmem_shared>> -> memref<10112x128xf32, #tpu.memory_space<vmem_shared>>
          tpu.enqueue_indirect_dma source(%arg9 : memref<128x128xf32, #tpu.memory_space<vmem>>) target(%dma_start3A_59 : memref<10112x128xf32, #tpu.memory_space<vmem_shared>>) offsets(%dma_start3A_56 : memref<128xi32, #tpu.memory_space<vmem>>) semaphore(%run_scoped3A : memref<!tpu.dma_semaphore, #tpu.memory_space<semaphore_mem>>) {add = true}
          %dma_wait3A_60 = arith.constant 0 : i32
          %dma_wait3A_61 = tpu.memref_slice %arg8[%mul3A_32, %dma_wait3A_60] : memref<40x128xi32, #tpu.memory_space<vmem>> -> memref<1x128xi32, #tpu.memory_space<vmem>>
          %dma_wait3A_62 = tpu.memref_squeeze %dma_wait3A_61 : memref<1x128xi32, #tpu.memory_space<vmem>> -> memref<128xi32, #tpu.memory_space<vmem>>
          %dma_wait3A_63 = arith.constant 0 : i32
          %dma_wait3A_64 = arith.constant 0 : i32
          %dma_wait3A_65 = tpu.memref_slice %arg11[%dma_wait3A_63, %dma_wait3A_64] : memref<10112x128xf32, #tpu.memory_space<vmem_shared>> -> memref<10112x128xf32, #tpu.memory_space<vmem_shared>>
          tpu.wait_indirect_dma semaphore(%run_scoped3A : memref<!tpu.dma_semaphore, #tpu.memory_space<semaphore_mem>>) src(%arg9 : memref<128x128xf32, #tpu.memory_space<vmem>>) dst(%dma_wait3A_65 : memref<10112x128xf32, #tpu.memory_space<vmem_shared>>)
          tpu.yield
        }) : () -> ()
        %lt3A = arith.constant 19 : i32
        %lt3A_46 = arith.cmpi slt, %scan3A_30, %lt3A : i32
        %convert_element_type3A = arith.extui %lt3A_46 : i1 to i32
        %cond3A = arith.constant 0 : i32
        %cond3A_47 = arith.cmpi ne, %convert_element_type3A, %cond3A : i32
        scf.if %cond3A_47 {
          %add3A_54 = arith.constant 2 : i32
          %add3A_55 = arith.addi %mul3A_32, %add3A_54 : i32
          %dma_start3A_56 = arith.constant 0 : i32
          %dma_start3A_57 = tpu.memref_slice %arg7[%add3A_55, %dma_start3A_56] : memref<40x128xi32, #tpu.memory_space<vmem>> -> memref<1x128xi32, #tpu.memory_space<vmem>>
          %dma_start3A_58 = tpu.memref_squeeze %dma_start3A_57 : memref<1x128xi32, #tpu.memory_space<vmem>> -> memref<128xi32, #tpu.memory_space<vmem>>
          %dma_start3A_59 = arith.constant 0 : i32
          %dma_start3A_60 = arith.constant 0 : i32
          %dma_start3A_61 = tpu.memref_slice %arg2[%dma_start3A_59, %dma_start3A_60] : memref<10112x128xf32, #tpu.memory_space<hbm>> -> memref<10112x128xf32, #tpu.memory_space<hbm>>
          tpu.enqueue_indirect_dma source(%dma_start3A_61 : memref<10112x128xf32, #tpu.memory_space<hbm>>) target(%arg9 : memref<128x128xf32, #tpu.memory_space<vmem>>) offsets(%dma_start3A_58 : memref<128xi32, #tpu.memory_space<vmem>>) semaphore(%arg12 : memref<!tpu.dma_semaphore, #tpu.memory_space<semaphore_mem>>)
        } else {
        }
        %dma_wait3A_48 = arith.constant 0 : i32
        %dma_wait3A_49 = tpu.memref_slice %arg7[%add3A_34, %dma_wait3A_48] : memref<40x128xi32, #tpu.memory_space<vmem>> -> memref<1x128xi32, #tpu.memory_space<vmem>>
        %dma_wait3A_50 = tpu.memref_squeeze %dma_wait3A_49 : memref<1x128xi32, #tpu.memory_space<vmem>> -> memref<128xi32, #tpu.memory_space<vmem>>
        %dma_wait3A_51 = arith.constant 0 : i32
        %dma_wait3A_52 = arith.constant 0 : i32
        %dma_wait3A_53 = tpu.memref_slice %arg2[%dma_wait3A_51, %dma_wait3A_52] : memref<10112x128xf32, #tpu.memory_space<hbm>> -> memref<10112x128xf32, #tpu.memory_space<hbm>>
        tpu.wait_indirect_dma semaphore(%arg13 : memref<!tpu.dma_semaphore, #tpu.memory_space<semaphore_mem>>) src(%dma_wait3A_53 : memref<10112x128xf32, #tpu.memory_space<hbm>>) dst(%arg10 : memref<128x128xf32, #tpu.memory_space<vmem>>)
        "tpu.region"() ({
          %run_scoped3A = tpu.sem_alloc : memref<!tpu.dma_semaphore, #tpu.memory_space<semaphore_mem>>
          %dma_start3A_54 = arith.constant 0 : i32
          %dma_start3A_55 = tpu.memref_slice %arg8[%add3A_34, %dma_start3A_54] : memref<40x128xi32, #tpu.memory_space<vmem>> -> memref<1x128xi32, #tpu.memory_space<vmem>>
          %dma_start3A_56 = tpu.memref_squeeze %dma_start3A_55 : memref<1x128xi32, #tpu.memory_space<vmem>> -> memref<128xi32, #tpu.memory_space<vmem>>
          %dma_start3A_57 = arith.constant 0 : i32
          %dma_start3A_58 = arith.constant 0 : i32
          %dma_start3A_59 = tpu.memref_slice %arg11[%dma_start3A_57, %dma_start3A_58] : memref<10112x128xf32, #tpu.memory_space<vmem_shared>> -> memref<10112x128xf32, #tpu.memory_space<vmem_shared>>
          tpu.enqueue_indirect_dma source(%arg10 : memref<128x128xf32, #tpu.memory_space<vmem>>) target(%dma_start3A_59 : memref<10112x128xf32, #tpu.memory_space<vmem_shared>>) offsets(%dma_start3A_56 : memref<128xi32, #tpu.memory_space<vmem>>) semaphore(%run_scoped3A : memref<!tpu.dma_semaphore, #tpu.memory_space<semaphore_mem>>) {add = true}
          %dma_wait3A_60 = arith.constant 0 : i32
          %dma_wait3A_61 = tpu.memref_slice %arg8[%add3A_34, %dma_wait3A_60] : memref<40x128xi32, #tpu.memory_space<vmem>> -> memref<1x128xi32, #tpu.memory_space<vmem>>
          %dma_wait3A_62 = tpu.memref_squeeze %dma_wait3A_61 : memref<1x128xi32, #tpu.memory_space<vmem>> -> memref<128xi32, #tpu.memory_space<vmem>>
          %dma_wait3A_63 = arith.constant 0 : i32
          %dma_wait3A_64 = arith.constant 0 : i32
          %dma_wait3A_65 = tpu.memref_slice %arg11[%dma_wait3A_63, %dma_wait3A_64] : memref<10112x128xf32, #tpu.memory_space<vmem_shared>> -> memref<10112x128xf32, #tpu.memory_space<vmem_shared>>
          tpu.wait_indirect_dma semaphore(%run_scoped3A : memref<!tpu.dma_semaphore, #tpu.memory_space<semaphore_mem>>) src(%arg10 : memref<128x128xf32, #tpu.memory_space<vmem>>) dst(%dma_wait3A_65 : memref<10112x128xf32, #tpu.memory_space<vmem_shared>>)
          tpu.yield
        }) : () -> ()
      }
      %scan3A_29 = arith.constant 20 : i32
    }
    %scan3A_7 = arith.constant 2 : i32
    %barrier3A_8 = arith.constant 0 : index
    tpu.barrier barrier_id(%barrier3A_8)
    %mul3A_9 = arith.constant 632 : i32
    %mul3A_10 = arith.muli %arg1, %mul3A_9 : i32
    %mul3A_11 = arith.constant 632 : i32
    %mul3A_12 = arith.muli %arg1, %mul3A_11 : i32
    "tpu.region"() ({
      %run_scoped3A = tpu.sem_alloc : memref<!tpu.dma_semaphore, #tpu.memory_space<semaphore_mem>>
      %dma_start3A = arith.constant 0 : i32
      %dma_start3A_13 = tpu.memref_slice %arg6[%arg0, %mul3A_12, %dma_start3A] : memref<2x10112x128xf32, #tpu.memory_space<hbm>> -> memref<1x632x128xf32, #tpu.memory_space<hbm>>
      %dma_start3A_14 = tpu.memref_squeeze %dma_start3A_13 : memref<1x632x128xf32, #tpu.memory_space<hbm>> -> memref<632x128xf32, #tpu.memory_space<hbm>>
      %dma_start3A_15 = arith.constant 0 : i32
      %dma_start3A_16 = tpu.memref_slice %arg11[%mul3A_10, %dma_start3A_15] : memref<10112x128xf32, #tpu.memory_space<vmem_shared>> -> memref<632x128xf32, #tpu.memory_space<vmem_shared>>
      tpu.enqueue_dma source(%dma_start3A_16 : memref<632x128xf32, #tpu.memory_space<vmem_shared>>) target(%dma_start3A_14 : memref<632x128xf32, #tpu.memory_space<hbm>>) target_semaphore(%run_scoped3A : memref<!tpu.dma_semaphore, #tpu.memory_space<semaphore_mem>>)
      %dma_wait3A = arith.constant 0 : i32
      %dma_wait3A_17 = tpu.memref_slice %arg6[%arg0, %mul3A_12, %dma_wait3A] : memref<2x10112x128xf32, #tpu.memory_space<hbm>> -> memref<1x632x128xf32, #tpu.memory_space<hbm>>
      %dma_wait3A_18 = tpu.memref_squeeze %dma_wait3A_17 : memref<1x632x128xf32, #tpu.memory_space<hbm>> -> memref<632x128xf32, #tpu.memory_space<hbm>>
      %dma_wait3A_19 = arith.constant 0 : i32
      %dma_wait3A_20 = tpu.memref_slice %arg11[%mul3A_10, %dma_wait3A_19] : memref<10112x128xf32, #tpu.memory_space<vmem_shared>> -> memref<632x128xf32, #tpu.memory_space<vmem_shared>>
      tpu.wait_dma2 semaphore(%run_scoped3A : memref<!tpu.dma_semaphore, #tpu.memory_space<semaphore_mem>>) src(%dma_wait3A_20 : memref<632x128xf32, #tpu.memory_space<vmem_shared>>) dst(%dma_wait3A_18 : memref<632x128xf32, #tpu.memory_space<hbm>>)
      tpu.yield
    }) : () -> ()
    return
  }
}

module attributes {stable_mosaic.version = 14 : i64} {
  func.func @_tc1_body(%arg0: i32, %arg1: memref<1264x128xf32, #tpu.memory_space<vmem>>, %arg2: memref<128x128xf32, #tpu.memory_space<vmem>>, %arg3: memref<2x1264x128xf32, #tpu.memory_space<vmem>>, %arg4: memref<1264x128xf32, #tpu.memory_space<vmem>>) attributes {dimension_semantics = [#tpu.dimension_semantics<arbitrary>], iteration_bounds = array<i64: 8>, scalar_prefetch = 0 : i64, scratch_operands = 0 : i64, tpu.core_type = #tpu.core_type<tc>, window_params = [{transform_indices = @transform_0, window_bounds = array<i64: 1264, 128>}, {pipeline_mode = #tpu.pipeline_mode<synchronous>, transform_indices = @transform_1, window_bounds = array<i64: 128, 128>}, {transform_indices = @transform_2, window_bounds = array<i64: 2, 1264, 128>}, {transform_indices = @transform_3, window_bounds = array<i64: 1264, 128>}]} {
    %get3A = arith.constant 0 : index
    %get3A_0 = arith.constant 0 : index
    %get3A_1 = arith.constant 0 : index
    %get3A_2 = vector.load %arg3[%get3A, %get3A_0, %get3A_1] : memref<2x1264x128xf32, #tpu.memory_space<vmem>>, vector<2x1264x128xf32>
    %slice3A = vector.extract_strided_slice %get3A_2 {offsets = [0, 0, 0], sizes = [1, 1264, 1], strides = [1, 1, 1]} : vector<2x1264x128xf32> to vector<1x1264x1xf32>
    %squeeze3A = vector.shape_cast %slice3A : vector<1x1264x1xf32> to vector<1264xf32>
    %slice3A_3 = vector.extract_strided_slice %get3A_2 {offsets = [1, 0, 0], sizes = [1, 1264, 1], strides = [1, 1, 1]} : vector<2x1264x128xf32> to vector<1x1264x1xf32>
    %squeeze3A_4 = vector.shape_cast %slice3A_3 : vector<1x1264x1xf32> to vector<1264xf32>
    %add3A = arith.addf %squeeze3A, %squeeze3A_4 : vector<1264xf32>
    %add3A_5 = arith.constant 1.000000e+00 : f32
    %add3A_6 = vector.broadcast %add3A_5 : f32 to vector<1264xf32>
    %add3A_7 = arith.addf %add3A, %add3A_6 : vector<1264xf32>
    %rsqrt3A = math.rsqrt %add3A_7 : vector<1264xf32>
    %get3A_8 = arith.constant 0 : index
    %get3A_9 = arith.constant 0 : index
    %get3A_10 = vector.load %arg1[%get3A_8, %get3A_9] : memref<1264x128xf32, #tpu.memory_space<vmem>>, vector<1264x128xf32>
    %get3A_11 = arith.constant 0 : index
    %get3A_12 = arith.constant 0 : index
    %get3A_13 = vector.load %arg2[%get3A_11, %get3A_12] : memref<128x128xf32, #tpu.memory_space<vmem>>, vector<128x128xf32>
    %dot_general3A = arith.constant dense<0.000000e+00> : vector<1264x128xf32>
    %dot_general3A_14 = tpu.matmul %get3A_10, %get3A_13, %dot_general3A {dimension_numbers = #tpu.dot_dimension_numbers<[1], [0], [0], [1], [0, 0, 1, 1], [], []>, transpose_lhs_hint = false} : vector<1264x128xf32>, vector<128x128xf32>, vector<1264x128xf32> -> vector<1264x128xf32>
    %broadcast_in_dim3A = vector.shape_cast %rsqrt3A : vector<1264xf32> to vector<1264x1xf32>
    %mul3A = vector.broadcast %broadcast_in_dim3A : vector<1264x1xf32> to vector<1264x128xf32>
    %mul3A_15 = arith.mulf %dot_general3A_14, %mul3A : vector<1264x128xf32>
    %swap3A = arith.constant 0 : index
    %swap3A_16 = arith.constant 0 : index
    %swap3A_17 = vector.load %arg4[%swap3A, %swap3A_16] : memref<1264x128xf32, #tpu.memory_space<vmem>>, vector<1264x128xf32>
    tpu.vector_store %arg4[%swap3A, %swap3A_16], %mul3A_15 {strides = array<i32>} : memref<1264x128xf32, #tpu.memory_space<vmem>>, vector<1264x128xf32>,
    return
  }
  func.func @transform_0(%arg0: i32) -> (i32, i32) {
    %c0_i32 = arith.constant 0 : i32
    %c0_i32_0 = arith.constant 0 : i32
    return %arg0, %c0_i32 : i32, i32
  }
  func.func @transform_1(%arg0: i32) -> (i32, i32) {
    %c0_i32 = arith.constant 0 : i32
    %c0_i32_0 = arith.constant 0 : i32
    %c0_i32_1 = arith.constant 0 : i32
    return %c0_i32, %c0_i32_0 : i32, i32
  }
  func.func @transform_2(%arg0: i32) -> (i32, i32, i32) {
    %c0_i32 = arith.constant 0 : i32
    %c0_i32_0 = arith.constant 0 : i32
    %c0_i32_1 = arith.constant 0 : i32
    return %c0_i32, %arg0, %c0_i32_0 : i32, i32, i32
  }
  func.func @transform_3(%arg0: i32) -> (i32, i32) {
    %c0_i32 = arith.constant 0 : i32
    %c0_i32_0 = arith.constant 0 : i32
    return %arg0, %c0_i32 : i32, i32
  }
}

module attributes {stable_mosaic.version = 14 : i64} {
  func.func @_tc2_body(%arg0: i32, %arg1: memref<2x1264x128xf32, #tpu.memory_space<vmem>>, %arg2: memref<1264x128xf32, #tpu.memory_space<vmem>>, %arg3: memref<2x1264x128xf32, #tpu.memory_space<vmem>>, %arg4: memref<1x128xf32, #tpu.memory_space<vmem>>, %arg5: memref<128x128xf32, #tpu.memory_space<vmem>>, %arg6: memref<1264x128xf32, #tpu.memory_space<vmem>>) attributes {dimension_semantics = [#tpu.dimension_semantics<arbitrary>], iteration_bounds = array<i64: 8>, scalar_prefetch = 0 : i64, scratch_operands = 0 : i64, tpu.core_type = #tpu.core_type<tc>, window_params = [{transform_indices = @transform_0, window_bounds = array<i64: 2, 1264, 128>}, {transform_indices = @transform_1, window_bounds = array<i64: 1264, 128>}, {transform_indices = @transform_2, window_bounds = array<i64: 2, 1264, 128>}, {pipeline_mode = #tpu.pipeline_mode<synchronous>, transform_indices = @transform_3, window_bounds = array<i64: 1, 128>}, {pipeline_mode = #tpu.pipeline_mode<synchronous>, transform_indices = @transform_4, window_bounds = array<i64: 128, 128>}, {transform_indices = @transform_5, window_bounds = array<i64: 1264, 128>}]} {
    %get3A = arith.constant 0 : index
    %get3A_0 = arith.constant 0 : index
    %get3A_1 = arith.constant 0 : index
    %get3A_2 = vector.load %arg3[%get3A, %get3A_0, %get3A_1] : memref<2x1264x128xf32, #tpu.memory_space<vmem>>, vector<2x1264x128xf32>
    %slice3A = vector.extract_strided_slice %get3A_2 {offsets = [0, 0, 0], sizes = [1, 1264, 1], strides = [1, 1, 1]} : vector<2x1264x128xf32> to vector<1x1264x1xf32>
    %squeeze3A = vector.shape_cast %slice3A : vector<1x1264x1xf32> to vector<1264xf32>
    %slice3A_3 = vector.extract_strided_slice %get3A_2 {offsets = [1, 0, 0], sizes = [1, 1264, 1], strides = [1, 1, 1]} : vector<2x1264x128xf32> to vector<1x1264x1xf32>
    %squeeze3A_4 = vector.shape_cast %slice3A_3 : vector<1x1264x1xf32> to vector<1264xf32>
    %add3A = arith.addf %squeeze3A, %squeeze3A_4 : vector<1264xf32>
    %add3A_5 = arith.constant 1.000000e+00 : f32
    %add3A_6 = vector.broadcast %add3A_5 : f32 to vector<1264xf32>
    %add3A_7 = arith.addf %add3A, %add3A_6 : vector<1264xf32>
    %rsqrt3A = math.rsqrt %add3A_7 : vector<1264xf32>
    %get3A_8 = arith.constant 0 : index
    %get3A_9 = arith.constant 0 : index
    %get3A_10 = arith.constant 0 : index
    %get3A_11 = vector.load %arg1[%get3A_8, %get3A_9, %get3A_10] : memref<2x1264x128xf32, #tpu.memory_space<vmem>>, vector<2x1264x128xf32>
    %broadcast_in_dim3A = vector.shape_cast %rsqrt3A : vector<1264xf32> to vector<1264x1xf32>
    %slice3A_12 = vector.extract_strided_slice %get3A_11 {offsets = [0, 0, 0], sizes = [1, 1264, 128], strides = [1, 1, 1]} : vector<2x1264x128xf32> to vector<1x1264x128xf32>
    %squeeze3A_13 = vector.shape_cast %slice3A_12 : vector<1x1264x128xf32> to vector<1264x128xf32>
    %slice3A_14 = vector.extract_strided_slice %get3A_11 {offsets = [1, 0, 0], sizes = [1, 1264, 128], strides = [1, 1, 1]} : vector<2x1264x128xf32> to vector<1x1264x128xf32>
    %squeeze3A_15 = vector.shape_cast %slice3A_14 : vector<1x1264x128xf32> to vector<1264x128xf32>
    %add3A_16 = arith.addf %squeeze3A_13, %squeeze3A_15 : vector<1264x128xf32>
    %get3A_17 = arith.constant 0 : index
    %get3A_18 = arith.constant 0 : index
    %get3A_19 = vector.load %arg2[%get3A_17, %get3A_18] : memref<1264x128xf32, #tpu.memory_space<vmem>>, vector<1264x128xf32>
    %add3A_20 = arith.addf %add3A_16, %get3A_19 : vector<1264x128xf32>
    %mul3A = vector.broadcast %broadcast_in_dim3A : vector<1264x1xf32> to vector<1264x128xf32>
    %mul3A_21 = arith.mulf %mul3A, %add3A_20 : vector<1264x128xf32>
    %get3A_22 = arith.constant 0 : index
    %get3A_23 = arith.constant 0 : index
    %get3A_24 = vector.load %arg4[%get3A_22, %get3A_23] : memref<1x128xf32, #tpu.memory_space<vmem>>, vector<1x128xf32>
    %add3A_25 = vector.broadcast %get3A_24 : vector<1x128xf32> to vector<1264x128xf32>
    %add3A_26 = arith.addf %mul3A_21, %add3A_25 : vector<1264x128xf32>
    %ge3A = arith.constant 0.000000e+00 : f32
    %ge3A_27 = vector.broadcast %ge3A : f32 to vector<1264x128xf32>
    %ge3A_28 = arith.cmpf oge, %add3A_26, %ge3A_27 : vector<1264x128xf32>
    %mul3A_29 = arith.constant 0.00999999977 : f32
    %mul3A_30 = vector.broadcast %mul3A_29 : f32 to vector<1264x128xf32>
    %mul3A_31 = arith.mulf %mul3A_30, %add3A_26 : vector<1264x128xf32>
    %select_n3A = arith.select %ge3A_28, %add3A_26, %mul3A_31 : vector<1264x128xi1>, vector<1264x128xf32>
    %get3A_32 = arith.constant 0 : index
    %get3A_33 = arith.constant 0 : index
    %get3A_34 = vector.load %arg5[%get3A_32, %get3A_33] : memref<128x128xf32, #tpu.memory_space<vmem>>, vector<128x128xf32>
    %dot_general3A = arith.constant dense<0.000000e+00> : vector<1264x128xf32>
    %dot_general3A_35 = tpu.matmul %select_n3A, %get3A_34, %dot_general3A {dimension_numbers = #tpu.dot_dimension_numbers<[1], [0], [0], [1], [0, 0, 1, 1], [], []>, transpose_lhs_hint = false} : vector<1264x128xf32>, vector<128x128xf32>, vector<1264x128xf32> -> vector<1264x128xf32>
    %broadcast_in_dim3A_36 = vector.shape_cast %rsqrt3A : vector<1264xf32> to vector<1264x1xf32>
    %mul3A_37 = vector.broadcast %broadcast_in_dim3A_36 : vector<1264x1xf32> to vector<1264x128xf32>
    %mul3A_38 = arith.mulf %dot_general3A_35, %mul3A_37 : vector<1264x128xf32>
    %swap3A = arith.constant 0 : index
    %swap3A_39 = arith.constant 0 : index
    %swap3A_40 = vector.load %arg6[%swap3A, %swap3A_39] : memref<1264x128xf32, #tpu.memory_space<vmem>>, vector<1264x128xf32>
    tpu.vector_store %arg6[%swap3A, %swap3A_39], %mul3A_38 {strides = array<i32>} : memref<1264x128xf32, #tpu.memory_space<vmem>>, vector<1264x128xf32>,
    return
  }
  func.func @transform_0(%arg0: i32) -> (i32, i32, i32) {
    %c0_i32 = arith.constant 0 : i32
    %c0_i32_0 = arith.constant 0 : i32
    %c0_i32_1 = arith.constant 0 : i32
    return %c0_i32, %arg0, %c0_i32_0 : i32, i32, i32
  }
  func.func @transform_1(%arg0: i32) -> (i32, i32) {
    %c0_i32 = arith.constant 0 : i32
    %c0_i32_0 = arith.constant 0 : i32
    return %arg0, %c0_i32 : i32, i32
  }
  func.func @transform_2(%arg0: i32) -> (i32, i32, i32) {
    %c0_i32 = arith.constant 0 : i32
    %c0_i32_0 = arith.constant 0 : i32
    %c0_i32_1 = arith.constant 0 : i32
    return %c0_i32, %arg0, %c0_i32_0 : i32, i32, i32
  }
  func.func @transform_3(%arg0: i32) -> (i32, i32) {
    %c0_i32 = arith.constant 0 : i32
    %c0_i32_0 = arith.constant 0 : i32
    %c0_i32_1 = arith.constant 0 : i32
    return %c0_i32, %c0_i32_0 : i32, i32
  }
  func.func @transform_4(%arg0: i32) -> (i32, i32) {
    %c0_i32 = arith.constant 0 : i32
    %c0_i32_0 = arith.constant 0 : i32
    %c0_i32_1 = arith.constant 0 : i32
    return %c0_i32, %c0_i32_0 : i32, i32
  }
  func.func @transform_5(%arg0: i32) -> (i32, i32) {
    %c0_i32 = arith.constant 0 : i32
    %c0_i32_0 = arith.constant 0 : i32
    return %arg0, %c0_i32 : i32, i32
  }
}

module attributes {stable_mosaic.version = 14 : i64} {
  func.func @_tc3_body(%arg0: i32, %arg1: memref<2x1264x128xf32, #tpu.memory_space<vmem>>, %arg2: memref<1264x128xf32, #tpu.memory_space<vmem>>, %arg3: memref<2x1264x128xf32, #tpu.memory_space<vmem>>, %arg4: memref<1x128xf32, #tpu.memory_space<vmem>>, %arg5: memref<1264x128xf32, #tpu.memory_space<vmem>>) attributes {dimension_semantics = [#tpu.dimension_semantics<arbitrary>], iteration_bounds = array<i64: 8>, scalar_prefetch = 0 : i64, scratch_operands = 0 : i64, tpu.core_type = #tpu.core_type<tc>, window_params = [{transform_indices = @transform_0, window_bounds = array<i64: 2, 1264, 128>}, {transform_indices = @transform_1, window_bounds = array<i64: 1264, 128>}, {transform_indices = @transform_2, window_bounds = array<i64: 2, 1264, 128>}, {pipeline_mode = #tpu.pipeline_mode<synchronous>, transform_indices = @transform_3, window_bounds = array<i64: 1, 128>}, {transform_indices = @transform_4, window_bounds = array<i64: 1264, 128>}]} {
    %get3A = arith.constant 0 : index
    %get3A_0 = arith.constant 0 : index
    %get3A_1 = arith.constant 0 : index
    %get3A_2 = vector.load %arg3[%get3A, %get3A_0, %get3A_1] : memref<2x1264x128xf32, #tpu.memory_space<vmem>>, vector<2x1264x128xf32>
    %slice3A = vector.extract_strided_slice %get3A_2 {offsets = [0, 0, 0], sizes = [1, 1264, 1], strides = [1, 1, 1]} : vector<2x1264x128xf32> to vector<1x1264x1xf32>
    %squeeze3A = vector.shape_cast %slice3A : vector<1x1264x1xf32> to vector<1264xf32>
    %slice3A_3 = vector.extract_strided_slice %get3A_2 {offsets = [1, 0, 0], sizes = [1, 1264, 1], strides = [1, 1, 1]} : vector<2x1264x128xf32> to vector<1x1264x1xf32>
    %squeeze3A_4 = vector.shape_cast %slice3A_3 : vector<1x1264x1xf32> to vector<1264xf32>
    %add3A = arith.addf %squeeze3A, %squeeze3A_4 : vector<1264xf32>
    %add3A_5 = arith.constant 1.000000e+00 : f32
    %add3A_6 = vector.broadcast %add3A_5 : f32 to vector<1264xf32>
    %add3A_7 = arith.addf %add3A, %add3A_6 : vector<1264xf32>
    %rsqrt3A = math.rsqrt %add3A_7 : vector<1264xf32>
    %get3A_8 = arith.constant 0 : index
    %get3A_9 = arith.constant 0 : index
    %get3A_10 = arith.constant 0 : index
    %get3A_11 = vector.load %arg1[%get3A_8, %get3A_9, %get3A_10] : memref<2x1264x128xf32, #tpu.memory_space<vmem>>, vector<2x1264x128xf32>
    %broadcast_in_dim3A = vector.shape_cast %rsqrt3A : vector<1264xf32> to vector<1264x1xf32>
    %slice3A_12 = vector.extract_strided_slice %get3A_11 {offsets = [0, 0, 0], sizes = [1, 1264, 128], strides = [1, 1, 1]} : vector<2x1264x128xf32> to vector<1x1264x128xf32>
    %squeeze3A_13 = vector.shape_cast %slice3A_12 : vector<1x1264x128xf32> to vector<1264x128xf32>
    %slice3A_14 = vector.extract_strided_slice %get3A_11 {offsets = [1, 0, 0], sizes = [1, 1264, 128], strides = [1, 1, 1]} : vector<2x1264x128xf32> to vector<1x1264x128xf32>
    %squeeze3A_15 = vector.shape_cast %slice3A_14 : vector<1x1264x128xf32> to vector<1264x128xf32>
    %add3A_16 = arith.addf %squeeze3A_13, %squeeze3A_15 : vector<1264x128xf32>
    %get3A_17 = arith.constant 0 : index
    %get3A_18 = arith.constant 0 : index
    %get3A_19 = vector.load %arg2[%get3A_17, %get3A_18] : memref<1264x128xf32, #tpu.memory_space<vmem>>, vector<1264x128xf32>
    %add3A_20 = arith.addf %add3A_16, %get3A_19 : vector<1264x128xf32>
    %mul3A = vector.broadcast %broadcast_in_dim3A : vector<1264x1xf32> to vector<1264x128xf32>
    %mul3A_21 = arith.mulf %mul3A, %add3A_20 : vector<1264x128xf32>
    %get3A_22 = arith.constant 0 : index
    %get3A_23 = arith.constant 0 : index
    %get3A_24 = vector.load %arg4[%get3A_22, %get3A_23] : memref<1x128xf32, #tpu.memory_space<vmem>>, vector<1x128xf32>
    %add3A_25 = vector.broadcast %get3A_24 : vector<1x128xf32> to vector<1264x128xf32>
    %add3A_26 = arith.addf %mul3A_21, %add3A_25 : vector<1264x128xf32>
    %ge3A = arith.constant 0.000000e+00 : f32
    %ge3A_27 = vector.broadcast %ge3A : f32 to vector<1264x128xf32>
    %ge3A_28 = arith.cmpf oge, %add3A_26, %ge3A_27 : vector<1264x128xf32>
    %mul3A_29 = arith.constant 0.00999999977 : f32
    %mul3A_30 = vector.broadcast %mul3A_29 : f32 to vector<1264x128xf32>
    %mul3A_31 = arith.mulf %mul3A_30, %add3A_26 : vector<1264x128xf32>
    %select_n3A = arith.select %ge3A_28, %add3A_26, %mul3A_31 : vector<1264x128xi1>, vector<1264x128xf32>
    %swap3A = arith.constant 0 : index
    %swap3A_32 = arith.constant 0 : index
    %swap3A_33 = vector.load %arg5[%swap3A, %swap3A_32] : memref<1264x128xf32, #tpu.memory_space<vmem>>, vector<1264x128xf32>
    tpu.vector_store %arg5[%swap3A, %swap3A_32], %select_n3A {strides = array<i32>} : memref<1264x128xf32, #tpu.memory_space<vmem>>, vector<1264x128xf32>,
    return
  }
  func.func @transform_0(%arg0: i32) -> (i32, i32, i32) {
    %c0_i32 = arith.constant 0 : i32
    %c0_i32_0 = arith.constant 0 : i32
    %c0_i32_1 = arith.constant 0 : i32
    return %c0_i32, %arg0, %c0_i32_0 : i32, i32, i32
  }
  func.func @transform_1(%arg0: i32) -> (i32, i32) {
    %c0_i32 = arith.constant 0 : i32
    %c0_i32_0 = arith.constant 0 : i32
    return %arg0, %c0_i32 : i32, i32
  }
  func.func @transform_2(%arg0: i32) -> (i32, i32, i32) {
    %c0_i32 = arith.constant 0 : i32
    %c0_i32_0 = arith.constant 0 : i32
    %c0_i32_1 = arith.constant 0 : i32
    return %c0_i32, %arg0, %c0_i32_0 : i32, i32, i32
  }
  func.func @transform_3(%arg0: i32) -> (i32, i32) {
    %c0_i32 = arith.constant 0 : i32
    %c0_i32_0 = arith.constant 0 : i32
    %c0_i32_1 = arith.constant 0 : i32
    return %c0_i32, %c0_i32_0 : i32, i32
  }
  func.func @transform_4(%arg0: i32) -> (i32, i32) {
    %c0_i32 = arith.constant 0 : i32
    %c0_i32_0 = arith.constant 0 : i32
    return %arg0, %c0_i32 : i32, i32
  }
}

</mosaic_0001>

<sc_bundles>
// kernel: kernel.11.cloned.1.call-start
scs
__scs_entry_jumppad:
0x0: {  	(pc) =	sbr.rel $0x88, $3  }
0x1: {  	(tag) =	ssettag $0x0;
	lr =	simm.s32 $0x1  }
0x2: {  	[smem:$0x3F9B] =	sst lr;
	_ =	strace $0xD0000000  }
0x3: {  	_ = 	snop  }
0x4: {  	_ = 	snop  }
0x5: {  	_ = 	snop  }
0x6: {  	_ = 	snop  }
0x7: {  	_ = 	snop  }
__scs_overlays_trampoline_lowered:
0x8: {  	[smem:$0x3FAA] =	sst s0  }
0x9: {  	[smem:$0x3FAB] =	sst s1  }
0xa: {  	[smem:$0x3FAC] =	sst s2  }
0xb: {  	[smem:$0x3FAD] =	sst s3  }
0xc: {  	[smem:$0x3FAE] =	sst s4  }
0xd: {  	[smem:$0x3FAF] =	sst s5  }
0xe: {  	[smem:$0x3FB0] =	sst s6  }
0xf: {  	[smem:$0x3FB1] =	sst s7  }
0x10: {  	[smem:$0x3FB2] =	sst s8  }
0x11: {  	[smem:$0x3FB3] =	sst s9;
	s0 =	simm.s32 @!p0 $0x0  }
0x12: {  	s1 =	sld [smem:$0x3F99];
	s0 =	simm.s32 @p0 $0x1  }
0x13: {  	[smem:$0x3FB4] =	sst s0;
	s0 =	simm.s32 @!p1 $0x0  }
0x14: {  	s2 =	sld [smem:$0x3F98];
	s0 =	simm.s32 @p1 $0x1  }
0x15: {  	[smem:$0x3FB5] =	sst s0;
	s0 =	simm.s32 @!p2 $0x0  }
0x16: {  	s3 =	sld [smem:$0x3FDB];
	s0 =	simm.s32 @p2 $0x1  }
0x17: {  	s4 =	simm.s32 $0x1BF5;
	[smem:$0x3FB7] =	sst s0  }
0x18: {  	s0 =	sld [smem:$0x3F9A];
	_ =	swait.ge [sflag:s4], $0x0  }
0x19: {  	s7 =	sld [smem:$0x3F9B]  }
0x1a: {  	s8 =	sadd.s32 $0xFFFFE003, lr  }
0x1b: {  	s9 =	sadd.s32 $0xFFFFFEF7, lr;
	s5 =	simm.s32 $0xFFFFFFFF;
	p2 =	slt.u32 s8, $0xFFFFF086  }
0x1c: {  	p1 =	slt.u32 s9, $0xF7A;
	s5 =	simm.s32 @!p2 $0x0  }
0x1d: {  	s5 =	simm.s32 @p1 $0x1;
	p0 =	seq.s32 s7, s2  }
0x1e: {  	s7 =	smul.u32 @!p0 $0xF7A, s2;
	p2 =	seq.s32 @!p0 s5, $0x0  }
0x1f: {  	s9 =	smul.u32 $0xF7A, s1;
	s8 =	simm.s32 @!p0 $0x1BF5;
	p2 =	por !p2, p0  }
0x20: {  	[sflag:s8] =	ssyncset.s32 @!p0 $0xFFFFF086;
	s6 =	sadd.s32 @!p0 s3, s7;
	s7 =	simm.s32 @!p0 $0x108  }
0x21: {  	s3 =	sadd.s32 s3, s9;
	s6 =	sadd.s32 @!p0 $0x88, s6;
	s7 =	simm.s32 @p2 $0x1082  }
0x22: {  	[simem:s7], [sflag:s8] =	dma.local @!p0 [hbm:s6], $0xF7A  }
0x23: {  	s9 =	sor.u32 $0xD0000000, s2;
	s6 =	simm.s32 $0x108;
	_ =	swait.ge @!p0 [sflag:s8], $0x0  }
0x24: {  	s3 =	sadd.s32 $0x88, s3;
	s6 =	simm.s32 @!p1 $0x1082;
	[sflag:s4] =	ssyncset.s32 $0xFFFFF086  }
0x25: {  	[simem:s6], [sflag:s4] =	dma.local [hbm:s3], $0xF7A  }
0x26: {  	[smem:$0x3F9B] =	sst s1;
	(tag) =	ssettag s2;
	_ =	strace s9  }
0x27: {  	s1 =	sld [smem:$0x3FAB]  }
0x28: {  	s2 =	sld [smem:$0x3FAC]  }
0x29: {  	s4 =	sld [smem:$0x3FAE]  }
0x2a: {  	p0 =	seq.s32 s5, $0x0;
	s5 =	sld [smem:$0x3FAF]  }
0x2b: {  	s6 =	sld [smem:$0x3FB0]  }
0x2c: {  	s7 =	sld [smem:$0x3FB1]  }
0x2d: {  	s3 =	simm.s32 $0x108;
	s8 =	sld [smem:$0x3FB2]  }
0x2e: {  	s3 =	simm.s32 @!p0 $0x1082;
	s9 =	sld [smem:$0x3FB3]  }
0x2f: {  	lr =	sadd.s32 s0, s3;
	s0 =	sld [smem:$0x3FAA]  }
0x30: {  	s3 =	sld [smem:$0x3FAD]  }
0x31: {  	[smem:$0x3FB6] =	sst s10  }
0x32: {  	s10 =	sld [smem:$0x3FB4];
	_ =	sdelay $0x3  }
0x33: {  	p0 =	seq.s32 s10, $0x1;
	s10 =	sld [smem:$0x3FB6];
	_ =	sdelay $0x3  }
0x34: {  	[smem:$0x3FB6] =	sst s10  }
0x35: {  	s10 =	sld [smem:$0x3FB5];
	_ =	sdelay $0x3  }
0x36: {  	p1 =	seq.s32 s10, $0x1;
	s10 =	sld [smem:$0x3FB6];
	_ =	sdelay $0x3  }
0x37: {  	[smem:$0x3FB6] =	sst s10  }
0x38: {  	s10 =	sld [smem:$0x3FB7]  }
0x39: {  	_ = 	snop;
	(pc) =	sbr.ind lr, $3  }
0x3a: {  	_ = 	snop  }
0x3b: {  	_ = 	snop  }
0x3c: {  	p2 =	seq.s32 s10, $0x1;
	s10 =	sld [smem:$0x3FB6]  }
0x3d: {  	_ =	shalt  }
0x3e: {  	_ =	shalt  }
0x3f: {  	_ =	shalt  }
0x40: {  	_ =	shalt  }
0x41: {  	_ =	shalt  }
0x42: {  	_ =	shalt  }
0x43: {  	_ =	shalt  }
0x44: {  	_ =	shalt  }
0x45: {  	_ =	shalt  }
0x46: {  	_ =	shalt  }
0x47: {  	_ =	shalt  }
0x48: {  	_ =	shalt  }
0x49: {  	_ =	shalt  }
0x4a: {  	_ =	shalt  }
0x4b: {  	_ =	shalt  }
0x4c: {  	_ =	shalt  }
0x4d: {  	_ =	shalt  }
0x4e: {  	_ =	shalt  }
0x4f: {  	_ =	shalt  }
0x50: {  	_ =	shalt  }
0x51: {  	_ =	shalt  }
0x52: {  	_ =	shalt  }
0x53: {  	_ =	shalt  }
0x54: {  	_ =	shalt  }
0x55: {  	_ =	shalt  }
0x56: {  	_ =	shalt  }
0x57: {  	_ =	shalt  }
0x58: {  	_ =	shalt  }
0x59: {  	_ =	shalt  }
0x5a: {  	_ =	shalt  }
0x5b: {  	_ =	shalt  }
0x5c: {  	_ =	shalt  }
0x5d: {  	_ =	shalt  }
0x5e: {  	_ =	shalt  }
0x5f: {  	_ =	shalt  }
0x60: {  	_ =	shalt  }
0x61: {  	_ =	shalt  }
0x62: {  	_ =	shalt  }
0x63: {  	_ =	shalt  }
0x64: {  	_ =	shalt  }
0x65: {  	_ =	shalt  }
0x66: {  	_ =	shalt  }
0x67: {  	_ =	shalt  }
0x68: {  	_ =	shalt  }
0x69: {  	_ =	shalt  }
0x6a: {  	_ =	shalt  }
0x6b: {  	_ =	shalt  }
0x6c: {  	_ =	shalt  }
0x6d: {  	_ =	shalt  }
0x6e: {  	_ =	shalt  }
0x6f: {  	_ =	shalt  }
0x70: {  	_ =	shalt  }
0x71: {  	_ =	shalt  }
0x72: {  	_ =	shalt  }
0x73: {  	_ =	shalt  }
0x74: {  	_ =	shalt  }
0x75: {  	_ =	shalt  }
0x76: {  	_ =	shalt  }
0x77: {  	_ =	shalt  }
0x78: {  	_ =	shalt  }
0x79: {  	_ =	shalt  }
0x7a: {  	_ =	shalt  }
0x7b: {  	_ =	shalt  }
0x7c: {  	_ =	shalt  }
0x7d: {  	_ =	shalt  }
0x7e: {  	_ =	shalt  }
0x7f: {  	_ =	shalt  }
0x80: {  	_ =	shalt  }
0x81: {  	_ =	shalt  }
0x82: {  	_ =	shalt  }
0x83: {  	_ =	shalt  }
0x84: {  	_ =	shalt  }
0x85: {  	_ =	shalt  }
0x86: {  	_ =	shalt  }
0x87: {  	_ =	shalt  }
.Lfunc_end0:
.L_simem_size_0:
called_computation.1_lowered:
.L_overlay_start_0:
0x88: {  	s2 =	sld [smem:$0x3FD9]  }
0x89: {  	s3 =	sld [smem:$0x3FFE];
	_ =	sdelay $0x1  }
0x8a: {  	s1 =	srdreg.scid  }
0x8b: {  	s0 =	sand.u32 $0x1, s1  }
0x8c: {  	s17 =	sshll.u32 s0, $0xA;
	s2 =	sadd.s32 s3, s2  }
0x8d: {  	s2 =	sadd.s32 s2, s17  }
0x8e: {  	[smem:$0x3FC2] =	sst s2  }
0x8f: {  	_ = 	snop  }
0x90: {  	s2 =	sld [smem:$0x3FD0];
	(tm) =	ssettm $0x1  }
0x91: {  	s18 =	sld [smem:$0x3FFB];
	_ =	sdelay $0x3  }
0x92: {  	_ =	strace s18  }
0x93: {  	s3 =	sld [smem:$0x3FFC];
	_ =	sdelay $0x3  }
0x94: {  	_ =	strace s3  }
0x95: {  	s3 =	sld [smem:$0x3FFD];
	_ =	sdelay $0x3  }
0x96: {  	_ =	strace s3  }
0x97: {  	_ =	strace $0x8FFFFFFF  }
0x98: {  	s19 =	sld [smem:$0x3FDB];
	_ =	sdelay $0x1  }
0x99: {  	s4 =	simm.s32 $_scs_section_size  }
0x9a: {  	s5 =	simm.s32 $_size__tile_overlayer_lowered;
	s6 =	simm.s32 $_tile_overlayer_lowered  }
0x9b: {  	s22 =	simm.s32 $0x1BFF;
	s21 =	sshll.u32 s6, $0x1;
	s3 =	sadd.s32 s4, s19  }
0x9c: {  	s7 =	simm.s32 $0x0;
	s20 =	sshll.u32 s5, $0x1;
	s5 =	sadd.s32 s21, s3  }
0x9d: {  	[timem:s7], [sflag:s22] =	dma.local [hbm:s5], s20  }
0x9e: {  	_ =	swait.ge [sflag:s22], s20  }
0x9f: {  	s4 =	ssub.s32 $0x0, s20;
	[sflag:s22] =	ssyncset.done $0x0  }
0xa0: {  	[sflag:s22] =	ssyncadd.s32 s4;
	_ =	sdelay $0x1  }
0xa1: {  	s23 =	simm.s32 $0x1B8B  }
0xa2: {  	_ =	swait.ge [sflag:s23], $0x1  }
0xa3: {  	[sflag:s23] =	ssyncset.done $0x0  }
0xa4: {  	s25 =	simm.s32 $0x1B8E;
	s24 =	sld [smem:$0x3FFE];
	[sflag:s23] =	ssyncadd.s32 $0xFFFFFFFF  }
0xa5: {  	s26 =	simm.s32 $execute0_lowered;
	[smem:$0x3FD2] =	sst s25  }
0xa6: {  	s5 =	sshll.u32 s26, $0x1;
	_ =	strace $0x80000049;
	[dreg:$0x1] =	wrdreg $0xFFFFFFFF  }
0xa7: {  	s28 =	simm.s32 $_size_execute0_lowered;
	s3 =	sadd.s32 s3, s5;
	[dreg:$0x0] =	wrdreg $0x0  }
0xa8: {  	s5 =	sshll.u32 s28, $0x1;
	[dreg:$0x2] =	wrdreg s3  }
0xa9: {  	[dreg:$0x3] =	wrdreg s5  }
0xaa: {  	[dreg:$0x4] =	wrdreg $0xC0  }
0xab: {  	_ =	task [dreg:s7], $0x5FFFF  }
0xac: {  	[dreg:$0x1] =	wrdreg $0xFFFFFFFF  }
0xad: {  	[dreg:$0x0] =	wrdreg $0x60  }
0xae: {  	[dreg:$0x2] =	wrdreg s24  }
0xaf: {  	[dreg:$0x3] =	wrdreg s2  }
0xb0: {  	[dreg:$0x4] =	wrdreg $0xA8000  }
0xb1: {  	[dreg:$0x5] =	wrdreg $0x9  }
0xb2: {  	_ =	task.clear_ibuf [dreg:s7], $0x6FFFF;
	_ =	strace $0x90000049  }
0xb3: {  	s29 =	simm.s32 $0x9;
	_ =	strace $0x8000004B  }
0xb4: {  	_ =	swait.ge [sflag:s29], $0x1  }
0xb5: {  	[sflag:s29] =	ssyncadd.s32 $0xFFFFFFFF  }
0xb6: {  	_ =	strace $0x9000004B  }
0xb7: {  	_ =	sfence  }
0xb8: {  	s30 =	sld [smem:$0x0];
	_ =	sdelay $0x2  }
0xb9: {  	s31 =	sshll.u32 s1, $0xD;
	s1 =	sshrl.u32 s1, $0x2  }
0xba: {  	s3 =	sand.u32 $0x4000, s31;
	s1 =	sadd.s32 s1, s30  }
0xbb: {  	s0 =	sor.u32 s3, s0;
	s1 =	sshll.u32 s1, $0x11  }
0xbc: {  	s0 =	sor.u32 s1, s0  }
0xbd: {  	s0 =	sadd.s32 $0x8F2B, s0  }
0xbe: {  	[sflag:s0] =	ssyncadd.remote.s32 $0x1  }
0xbf: {  	_ =	sfence.sel $0xFFFF  }
0xc0: {  	[dreg:$0x0] =	wrdreg $0xFFFFFFFF;
	(pc) =	sbr.abs _section_cstart, $3  }
0xc1: {  	[dreg:$0x1] =	wrdreg $0xFFFFFFFF  }
0xc2: {  	_ =	task.clear_ibuf [dreg:s7], $0x2FFFF;
	_ =	strace $0x9FFFFFFF  }
0xc3: {  	(tm) =	ssettm $0x7FFFFFFF  }
tec
execute0_lowered:
.L_overlay_start_1:
0x0: {  	(tag) =	ssettag $0x1  }
0x1: {  	s6 =	rddreg [dreg:$0x0]  }
0x2: {  	s12 =	rddreg [dreg:$0x1]  }
0x3: {  	s1 =	rddreg [dreg:$0x2]  }
0x4: {  	s2 =	srdreg.scid;
	s0 =	rddreg [dreg:$0x3];
	s3 =	simm.s32 $0x0  }
0x5: {  	s16 =	simm.s32 $0x80;
	s17 =	simm.s32 $0x2800;
	s18 =	simm.s32 $0x6800  }
0x6: {  	s19 =	simm.s32 $0x1;
	s20 =	simm.s32 $0x2;
	s21 =	simm.s32 $0x1380  }
0x7: {  	s22 =	simm.s32 $0x2700;
	s23 =	simm.s32 $0x2780;
	s24 =	simm.s32 $0x0  }
0x8: {  	s7 =	sand.u32 $0x1, s2;
	s2 =	stileid.u32;
	[smem:$0x7FF] =	sst s3  }
0x9: {  	s4 =	sadd.s32 $0x5EA00, s6;
	s11 =	sadd.s32 $0x2A00, s6;
	s5 =	smul.u32 $0x13C000, s7  }
0xa: {  	s8 =	smul.u32 $0x13C00, s2;
	_ =	strace $0x8000004A;
	s9 =	ssub.s32 $0x2, s7  }
0xb: {  	s13 =	smul.u32 $0x4F000, s2;
	s7 =	sshll.u32 s7, $0x4;
	s30 =	sshll.u32 s2, $0x6  }
0xc: {  	s10 =	sshrl.u32 s9, $0x1;
	s28 =	sor.u32 s2, s7;
	s8 =	sadd.s32 s8, s5  }
0xd: {  	s5 =	sadd.s32 $0xD200, s6;
	s29 =	sshrl.u32 s13, $0x2;
	s31 =	smul.u32 $0x500, s28  }
0xe: {  	s9 =	ssub.s32 s9, s10;
	s8 =	sshrl.u32 s8, $0x3;
	s14 =	sadd.s32 s29, s1  }
0xf: {  	s8 =	sadd.s32 s8, s6;
	s6 =	sor.u32 $0x1C03, s30;
	s15 =	sadd.s32 $0x280, s31  }
0x10: {  	s10 =	sadd.s32 s12, s31;
	s13 =	sshrl.u32 s14, $0x3;
	s14 =	simm.s32 $0x3  }
0x11: {  	s7 =	sadd.s32 $0x86200, s8;
	s8 =	smax.u32 s9, $0x1;
	s9 =	sadd.s32 s11, s31  }
0x12: {  	s11 =	sadd.s32 s11, s15;
	s12 =	sadd.s32 s12, s15;
	s15 =	simm.s32 $0x1400  }
.LBB2_1:
0x13: {  	[spmem:s13], [sflag:s6] =	dma.local [hbm:s5], $0x2780  }
0x14: {  	_ =	swait.ge [sflag:s14], $0x2780  }
0x15: {  	[sflag:s14] =	ssyncset.done $0x0  }
0x16: {  	[sflag:s14] =	ssyncadd.s32 $0xFFFFD880  }
0x17: {  	[bflag:$0x0] =	sbarrier.arrive $0xFFFF  }
0x18: {  	[tilespmem:s3], [sflag:$0x3] =	stream.linear.gather [hbm4b:s9+s3], $0x1400, $0x38;
	[tilespmem:$0x1E400] =	vst v63  }
0x19: {  	_ =	swait.ge [sflag:s14], $0x1400  }
0x1a: {  	[sflag:s14] =	ssyncset.done $0x0  }
0x1b: {  	[sflag:s14] =	ssyncadd.s32 $0xFFFFEC00  }
0x1c: {  	[tilespmem:s15], [sflag:$0x3] =	stream.linear.gather [hbm4b:s10+s3], $0x1400, $0x38;
	[tilespmem:$0x1E400] =	vst v63  }
0x1d: {  	_ =	swait.ge [sflag:s14], $0x1400  }
0x1e: {  	[sflag:s14] =	ssyncset.done $0x0  }
0x1f: {  	[sflag:s14] =	ssyncadd.s32 $0xFFFFEC00  }
0x20: {  	[tilespmem:s17], [sflag:$0x1] =	stream.indirect.gather [hbm4b:s4+s16], $0x80, s3, s16, $0xb8;
	[tilespmem:$0x1E400] =	vst v63  }
0x21: {  	s25 =	simm.s32 $0x80  }
0x22: {  	[tilespmem:s18], [sflag:$0x2] =	stream.indirect.gather [hbm4b:s4+s16], $0x80, s25, s16, $0xb8;
	[tilespmem:$0x1E400] =	vst v63  }
0x23: {  	_ =	swait.ge [sflag:s19], $0x4000  }
0x24: {  	[sflag:s19] =	ssyncset.done $0x0  }
0x25: {  	s29 =	simm.s32 $0x1400;
	[sflag:s19] =	ssyncadd.s32 $0xFFFFC000  }
0x26: {  	[spmem:s1] =	stream.indirect.scatter.add.f32 [tilespmem:s17], [sflag:$0x3], $0x80, s29, s16, $0xb8;
	[tilespmem:$0x1E400] =	vst v63  }
0x27: {  	_ =	swait.ge [sflag:s14], $0x4000  }
0x28: {  	[sflag:s14] =	ssyncset.done $0x0  }
0x29: {  	s30 =	simm.s32 $0x100;
	[sflag:s14] =	ssyncadd.s32 $0xFFFFC000  }
0x2a: {  	[tilespmem:s17], [sflag:$0x1] =	stream.indirect.gather [hbm4b:s4+s16], $0x80, s30, s16, $0xb8;
	[tilespmem:$0x1E400] =	vst v63  }
0x2b: {  	_ =	swait.ge [sflag:s20], $0x4000  }
0x2c: {  	[sflag:s20] =	ssyncset.done $0x0  }
0x2d: {  	s31 =	simm.s32 $0x1480;
	[sflag:s20] =	ssyncadd.s32 $0xFFFFC000  }
0x2e: {  	[spmem:s1] =	stream.indirect.scatter.add.f32 [tilespmem:s18], [sflag:$0x3], $0x80, s31, s16, $0xb8;
	[tilespmem:$0x1E400] =	vst v63  }
0x2f: {  	_ =	swait.ge [sflag:s14], $0x4000  }
0x30: {  	s26 =	simm.s32 $0x800;
	s25 =	simm.s32 $0x100;
	[sflag:s14] =	ssyncset.done $0x0  }
.LBB2_2:
0x31: {  	s28 =	sadd.s32 $0x80, s25  }
0x32: {  	[sflag:s14] =	ssyncadd.s32 $0xFFFFC000;
	s29 =	smov.u32 s26;
	s30 =	sadd.s32 $0x400, s26  }
0x33: {  	[tilespmem:s18], [sflag:$0x2] =	stream.indirect.gather [hbm4b:s4+s16], $0x80, s28, s16, $0xb8;
	[tilespmem:$0x1E400] =	vst v63  }
0x34: {  	p0 =	sne.s32 s26, $0x4800;
	_ =	swait.ge [sflag:s19], $0x4000  }
0x35: {  	[sflag:s19] =	ssyncset.done $0x0  }
0x36: {  	s26 =	sadd.s32 $0x1400, s25;
	[sflag:s19] =	ssyncadd.s32 $0xFFFFC000  }
0x37: {  	[spmem:s1] =	stream.indirect.scatter.add.f32 [tilespmem:s17], [sflag:$0x3], $0x80, s26, s16, $0xb8;
	[tilespmem:$0x1E400] =	vst v63  }
0x38: {  	_ =	swait.ge [sflag:s14], $0x4000  }
0x39: {  	[sflag:s14] =	ssyncset.done $0x0  }
0x3a: {  	s26 =	sadd.s32 $0x100, s25;
	[sflag:s14] =	ssyncadd.s32 $0xFFFFC000  }
0x3b: {  	[tilespmem:s17], [sflag:$0x1] =	stream.indirect.gather [hbm4b:s4+s16], $0x80, s26, s16, $0xb8;
	[tilespmem:$0x1E400] =	vst v63  }
0x3c: {  	_ =	swait.ge [sflag:s20], $0x4000  }
.Ltmp0:
0x3d: {  	[sflag:s20] =	ssyncset.done $0x0;
	(pc) =	sbr.rel @p0 .LBB2_2-.Ltmp0, $4  }
0x3e: {  	s25 =	sadd.s32 $0x1480, s25;
	[sflag:s20] =	ssyncadd.s32 $0xFFFFC000  }
0x3f: {  	[spmem:s1] =	stream.indirect.scatter.add.f32 [tilespmem:s18], [sflag:$0x3], $0x80, s25, s16, $0xb8;
	[tilespmem:$0x1E400] =	vst v63  }
0x40: {  	_ =	swait.ge [sflag:s14], $0x4000  }
0x41: {  	s26 =	smov.u32 s30;
	s25 =	sshra.s32 s29, $0x2;
	[sflag:s14] =	ssyncset.done $0x0  }
0x42: {  	s26 =	sadd.s32 $0x80, s25;
	[sflag:s14] =	ssyncadd.s32 $0xFFFFC000  }
0x43: {  	[tilespmem:s18], [sflag:$0x2] =	stream.indirect.gather [hbm4b:s4+s16], $0x80, s26, s16, $0xb8;
	[tilespmem:$0x1E400] =	vst v63  }
0x44: {  	_ =	swait.ge [sflag:s19], $0x4000  }
0x45: {  	[sflag:s19] =	ssyncset.done $0x0  }
0x46: {  	s29 =	sadd.s32 $0x1400, s25;
	[sflag:s19] =	ssyncadd.s32 $0xFFFFC000  }
0x47: {  	[spmem:s1] =	stream.indirect.scatter.add.f32 [tilespmem:s17], [sflag:$0x3], $0x80, s29, s16, $0xb8;
	[tilespmem:$0x1E400] =	vst v63  }
0x48: {  	_ =	swait.ge [sflag:s14], $0x4000  }
0x49: {  	[sflag:s14] =	ssyncset.done $0x0  }
0x4a: {  	s30 =	sadd.s32 $0x100, s25;
	[sflag:s14] =	ssyncadd.s32 $0xFFFFC000  }
0x4b: {  	[tilespmem:s17], [sflag:$0x1] =	stream.indirect.gather [hbm4b:s4+s16], $0x80, s30, s16, $0xb8;
	[tilespmem:$0x1E400] =	vst v63  }
0x4c: {  	_ =	swait.ge [sflag:s20], $0x4000  }
0x4d: {  	[sflag:s20] =	ssyncset.done $0x0  }
0x4e: {  	s31 =	sadd.s32 $0x1480, s25;
	[sflag:s20] =	ssyncadd.s32 $0xFFFFC000  }
0x4f: {  	[spmem:s1] =	stream.indirect.scatter.add.f32 [tilespmem:s18], [sflag:$0x3], $0x80, s31, s16, $0xb8;
	[tilespmem:$0x1E400] =	vst v63  }
0x50: {  	_ =	swait.ge [sflag:s14], $0x4000  }
0x51: {  	[sflag:s14] =	ssyncset.done $0x0  }
0x52: {  	[sflag:s14] =	ssyncadd.s32 $0xFFFFC000  }
0x53: {  	[tilespmem:s18], [sflag:$0x2] =	stream.indirect.gather [hbm4b:s4+s16], $0x80, s21, s16, $0xb8;
	[tilespmem:$0x1E400] =	vst v63  }
0x54: {  	_ =	swait.ge [sflag:s19], $0x4000  }
0x55: {  	[sflag:s19] =	ssyncset.done $0x0  }
0x56: {  	[sflag:s19] =	ssyncadd.s32 $0xFFFFC000  }
0x57: {  	[spmem:s1] =	stream.indirect.scatter.add.f32 [tilespmem:s17], [sflag:$0x3], $0x80, s22, s16, $0xb8;
	[tilespmem:$0x1E400] =	vst v63  }
0x58: {  	_ =	swait.ge [sflag:s14], $0x4000  }
0x59: {  	[sflag:s14] =	ssyncset.done $0x0  }
0x5a: {  	[sflag:s14] =	ssyncadd.s32 $0xFFFFC000  }
0x5b: {  	_ =	swait.ge [sflag:s20], $0x4000  }
0x5c: {  	[sflag:s20] =	ssyncset.done $0x0  }
0x5d: {  	[sflag:s20] =	ssyncadd.s32 $0xFFFFC000  }
0x5e: {  	[spmem:s1] =	stream.indirect.scatter.add.f32 [tilespmem:s18], [sflag:$0x3], $0x80, s23, s16, $0xb8;
	[tilespmem:$0x1E400] =	vst v63  }
0x5f: {  	_ =	swait.ge [sflag:s14], $0x4000  }
0x60: {  	[sflag:s14] =	ssyncset.done $0x0  }
0x61: {  	s26 =	simm.s32 $0x0;
	[sflag:s14] =	ssyncadd.s32 $0xFFFFC000  }
0x62: {  	[tilespmem:s26], [sflag:$0x3] =	stream.linear.gather [hbm4b:s11+s26], $0x1400, $0x38;
	[tilespmem:$0x1E400] =	vst v63  }
0x63: {  	_ =	swait.ge [sflag:s14], $0x1400  }
0x64: {  	[sflag:s14] =	ssyncset.done $0x0  }
0x65: {  	[sflag:s14] =	ssyncadd.s32 $0xFFFFEC00  }
0x66: {  	[tilespmem:s15], [sflag:$0x3] =	stream.linear.gather [hbm4b:s12+s26], $0x1400, $0x38;
	[tilespmem:$0x1E400] =	vst v63  }
0x67: {  	_ =	swait.ge [sflag:s14], $0x1400  }
0x68: {  	[sflag:s14] =	ssyncset.done $0x0  }
0x69: {  	[sflag:s14] =	ssyncadd.s32 $0xFFFFEC00  }
0x6a: {  	[tilespmem:s17], [sflag:$0x1] =	stream.indirect.gather [hbm4b:s4+s16], $0x80, s26, s16, $0xb8;
	[tilespmem:$0x1E400] =	vst v63  }
0x6b: {  	s28 =	simm.s32 $0x80  }
0x6c: {  	[tilespmem:s18], [sflag:$0x2] =	stream.indirect.gather [hbm4b:s4+s16], $0x80, s28, s16, $0xb8;
	[tilespmem:$0x1E400] =	vst v63  }
0x6d: {  	_ =	swait.ge [sflag:s19], $0x4000  }
0x6e: {  	[sflag:s19] =	ssyncset.done $0x0  }
0x6f: {  	s29 =	simm.s32 $0x1400;
	[sflag:s19] =	ssyncadd.s32 $0xFFFFC000  }
0x70: {  	[spmem:s1] =	stream.indirect.scatter.add.f32 [tilespmem:s17], [sflag:$0x3], $0x80, s29, s16, $0xb8;
	[tilespmem:$0x1E400] =	vst v63  }
0x71: {  	_ =	swait.ge [sflag:s14], $0x4000  }
0x72: {  	[sflag:s14] =	ssyncset.done $0x0  }
0x73: {  	s30 =	simm.s32 $0x100;
	[sflag:s14] =	ssyncadd.s32 $0xFFFFC000  }
0x74: {  	[tilespmem:s17], [sflag:$0x1] =	stream.indirect.gather [hbm4b:s4+s16], $0x80, s30, s16, $0xb8;
	[tilespmem:$0x1E400] =	vst v63  }
0x75: {  	_ =	swait.ge [sflag:s20], $0x4000  }
0x76: {  	[sflag:s20] =	ssyncset.done $0x0  }
0x77: {  	s31 =	simm.s32 $0x1480;
	[sflag:s20] =	ssyncadd.s32 $0xFFFFC000  }
0x78: {  	[spmem:s1] =	stream.indirect.scatter.add.f32 [tilespmem:s18], [sflag:$0x3], $0x80, s31, s16, $0xb8;
	[tilespmem:$0x1E400] =	vst v63  }
0x79: {  	_ =	swait.ge [sflag:s14], $0x4000  }
0x7a: {  	s25 =	simm.s32 $0x100;
	s26 =	simm.s32 $0x800;
	[sflag:s14] =	ssyncset.done $0x0  }
.LBB2_4:
0x7b: {  	s28 =	sadd.s32 $0x80, s25  }
0x7c: {  	[sflag:s14] =	ssyncadd.s32 $0xFFFFC000;
	s29 =	smov.u32 s26;
	s30 =	sadd.s32 $0x400, s26  }
0x7d: {  	[tilespmem:s18], [sflag:$0x2] =	stream.indirect.gather [hbm4b:s4+s16], $0x80, s28, s16, $0xb8;
	[tilespmem:$0x1E400] =	vst v63  }
0x7e: {  	p0 =	sne.s32 s26, $0x4800;
	_ =	swait.ge [sflag:s19], $0x4000  }
0x7f: {  	[sflag:s19] =	ssyncset.done $0x0  }
0x80: {  	s26 =	sadd.s32 $0x1400, s25;
	[sflag:s19] =	ssyncadd.s32 $0xFFFFC000  }
0x81: {  	[spmem:s1] =	stream.indirect.scatter.add.f32 [tilespmem:s17], [sflag:$0x3], $0x80, s26, s16, $0xb8;
	[tilespmem:$0x1E400] =	vst v63  }
0x82: {  	_ =	swait.ge [sflag:s14], $0x4000  }
0x83: {  	[sflag:s14] =	ssyncset.done $0x0  }
0x84: {  	s26 =	sadd.s32 $0x100, s25;
	[sflag:s14] =	ssyncadd.s32 $0xFFFFC000  }
0x85: {  	[tilespmem:s17], [sflag:$0x1] =	stream.indirect.gather [hbm4b:s4+s16], $0x80, s26, s16, $0xb8;
	[tilespmem:$0x1E400] =	vst v63  }
0x86: {  	_ =	swait.ge [sflag:s20], $0x4000  }
.Ltmp1:
0x87: {  	[sflag:s20] =	ssyncset.done $0x0;
	(pc) =	sbr.rel @p0 .LBB2_4-.Ltmp1, $4  }
0x88: {  	s25 =	sadd.s32 $0x1480, s25;
	[sflag:s20] =	ssyncadd.s32 $0xFFFFC000  }
0x89: {  	[spmem:s1] =	stream.indirect.scatter.add.f32 [tilespmem:s18], [sflag:$0x3], $0x80, s25, s16, $0xb8;
	[tilespmem:$0x1E400] =	vst v63  }
0x8a: {  	_ =	swait.ge [sflag:s14], $0x4000  }
0x8b: {  	s26 =	smov.u32 s30;
	s25 =	sshra.s32 s29, $0x2;
	[sflag:s14] =	ssyncset.done $0x0  }
0x8c: {  	s26 =	sadd.s32 $0x80, s25;
	[sflag:s14] =	ssyncadd.s32 $0xFFFFC000  }
0x8d: {  	[tilespmem:s18], [sflag:$0x2] =	stream.indirect.gather [hbm4b:s4+s16], $0x80, s26, s16, $0xb8;
	[tilespmem:$0x1E400] =	vst v63  }
0x8e: {  	_ =	swait.ge [sflag:s19], $0x4000  }
0x8f: {  	[sflag:s19] =	ssyncset.done $0x0  }
0x90: {  	s29 =	sadd.s32 $0x1400, s25;
	[sflag:s19] =	ssyncadd.s32 $0xFFFFC000  }
0x91: {  	[spmem:s1] =	stream.indirect.scatter.add.f32 [tilespmem:s17], [sflag:$0x3], $0x80, s29, s16, $0xb8;
	[tilespmem:$0x1E400] =	vst v63  }
0x92: {  	_ =	swait.ge [sflag:s14], $0x4000  }
0x93: {  	[sflag:s14] =	ssyncset.done $0x0  }
0x94: {  	s30 =	sadd.s32 $0x100, s25;
	[sflag:s14] =	ssyncadd.s32 $0xFFFFC000  }
0x95: {  	[tilespmem:s17], [sflag:$0x1] =	stream.indirect.gather [hbm4b:s4+s16], $0x80, s30, s16, $0xb8;
	[tilespmem:$0x1E400] =	vst v63  }
0x96: {  	_ =	swait.ge [sflag:s20], $0x4000  }
0x97: {  	[sflag:s20] =	ssyncset.done $0x0  }
0x98: {  	s31 =	sadd.s32 $0x1480, s25;
	[sflag:s20] =	ssyncadd.s32 $0xFFFFC000  }
0x99: {  	[spmem:s1] =	stream.indirect.scatter.add.f32 [tilespmem:s18], [sflag:$0x3], $0x80, s31, s16, $0xb8;
	[tilespmem:$0x1E400] =	vst v63  }
0x9a: {  	_ =	swait.ge [sflag:s14], $0x4000  }
0x9b: {  	[sflag:s14] =	ssyncset.done $0x0  }
0x9c: {  	[sflag:s14] =	ssyncadd.s32 $0xFFFFC000  }
0x9d: {  	[tilespmem:s18], [sflag:$0x2] =	stream.indirect.gather [hbm4b:s4+s16], $0x80, s21, s16, $0xb8;
	[tilespmem:$0x1E400] =	vst v63  }
0x9e: {  	_ =	swait.ge [sflag:s19], $0x4000  }
0x9f: {  	[sflag:s19] =	ssyncset.done $0x0  }
0xa0: {  	[sflag:s19] =	ssyncadd.s32 $0xFFFFC000  }
0xa1: {  	[spmem:s1] =	stream.indirect.scatter.add.f32 [tilespmem:s17], [sflag:$0x3], $0x80, s22, s16, $0xb8;
	[tilespmem:$0x1E400] =	vst v63  }
0xa2: {  	_ =	swait.ge [sflag:s14], $0x4000  }
0xa3: {  	[sflag:s14] =	ssyncset.done $0x0  }
0xa4: {  	[sflag:s14] =	ssyncadd.s32 $0xFFFFC000  }
0xa5: {  	_ =	swait.ge [sflag:s20], $0x4000  }
0xa6: {  	[sflag:s20] =	ssyncset.done $0x0  }
0xa7: {  	[sflag:s20] =	ssyncadd.s32 $0xFFFFC000  }
0xa8: {  	[spmem:s1] =	stream.indirect.scatter.add.f32 [tilespmem:s18], [sflag:$0x3], $0x80, s23, s16, $0xb8;
	[tilespmem:$0x1E400] =	vst v63  }
0xa9: {  	_ =	swait.ge [sflag:s14], $0x4000  }
0xaa: {  	s24 =	sadd.s32 $0x1, s24;
	[sflag:s14] =	ssyncset.done $0x0  }
0xab: {  	p0 =	sne.s32 s24, s8;
	[sflag:s14] =	ssyncadd.s32 $0xFFFFC000  }
.Ltmp2:
0xac: {  	[bflag:$0x0] =	sbarrier.arrive $0xFFFF;
	(pc) =	sbr.rel @p0 .LBB2_1-.Ltmp2, $4  }
0xad: {  	[hbm:s7], [sflag:s6] =	dma.local [spmem:s13], $0x2780  }
0xae: {  	_ =	swait.ge [sflag:s14], $0x2780  }
0xaf: {  	[sflag:s14] =	ssyncset.done $0x0  }
0xb0: {  	[sflag:s14] =	ssyncadd.s32 $0xFFFFD880  }
0xb1: {  	_ =	sfence.sel $0x180000  }
0xb2: {  	[bflag:$0x0] =	sbarrier.arrive $0xFFFF  }
0xb3: {  	p0 =	sne.s32 s2, $0x0;
	_ =	strace $0x9000004A  }
0xb4: {  	s0 =	sadd.s32 @!p0 $0x100000, s0;
	[bflag:$0x2] =	sbarrier.arrive $0xFFFF  }
0xb5: {  	[sflag:s0] =	ssyncadd.tile.s32 @!p0 $0x1;
	_ =	shalt  }
.Lfunc_end2:
_tile_overlayer_lowered:
.L_overlay_start_2:
0xb6: {  	(tag) =	ssettag $0x2  }
0xb7: {  	s0 =	rddreg [dreg:$0x0];
	s2 =	stileid.u32  }
0xb8: {  	s1 =	rddreg [dreg:$0x1];
	p0 =	sne.s32 s2, $0x0  }
0xb9: {  	s3 =	rddreg [dreg:$0x2];
	[bflag:$0x3] =	sbarrier.arrive $0xFFFF;
	s2 =	simm.s32 @!p0 $0x1C03  }
0xba: {  	[timem:s3], [sflag:s2] =	dma.local @!p0 [hbm:s0], s1  }
0xbb: {  	s0 =	simm.s32 @!p0 $0x3  }
0xbc: {  	_ =	swait.ge @!p0 [sflag:s0], s1  }
0xbd: {  	s1 =	ssub.s32 @!p0 $0x0, s1;
	[sflag:s0] =	ssyncset.done @!p0 $0x0  }
0xbe: {  	[sflag:s0] =	ssyncadd.s32 @!p0 s1  }
0xbf: {  	[bflag:$0x3] =	sbarrier.arrive $0xFFFF  }
0xc0: {  	_ =	shalt  }

// kernel: kernel.14.cloned.1.call-start
scs
__scs_entry_jumppad:
0x0: {  	(pc) =	sbr.rel $0x88, $3  }
0x1: {  	(tag) =	ssettag $0x0;
	lr =	simm.s32 $0x1  }
0x2: {  	[smem:$0x3F9B] =	sst lr;
	_ =	strace $0xD0000000  }
0x3: {  	_ = 	snop  }
0x4: {  	_ = 	snop  }
0x5: {  	_ = 	snop  }
0x6: {  	_ = 	snop  }
0x7: {  	_ = 	snop  }
__scs_overlays_trampoline_lowered:
0x8: {  	[smem:$0x3FAA] =	sst s0  }
0x9: {  	[smem:$0x3FAB] =	sst s1  }
0xa: {  	[smem:$0x3FAC] =	sst s2  }
0xb: {  	[smem:$0x3FAD] =	sst s3  }
0xc: {  	[smem:$0x3FAE] =	sst s4  }
0xd: {  	[smem:$0x3FAF] =	sst s5  }
0xe: {  	[smem:$0x3FB0] =	sst s6  }
0xf: {  	[smem:$0x3FB1] =	sst s7  }
0x10: {  	[smem:$0x3FB2] =	sst s8  }
0x11: {  	[smem:$0x3FB3] =	sst s9;
	s0 =	simm.s32 @!p0 $0x0  }
0x12: {  	s1 =	sld [smem:$0x3F99];
	s0 =	simm.s32 @p0 $0x1  }
0x13: {  	[smem:$0x3FB4] =	sst s0;
	s0 =	simm.s32 @!p1 $0x0  }
0x14: {  	s2 =	sld [smem:$0x3F98];
	s0 =	simm.s32 @p1 $0x1  }
0x15: {  	[smem:$0x3FB5] =	sst s0;
	s0 =	simm.s32 @!p2 $0x0  }
0x16: {  	s3 =	sld [smem:$0x3FDB];
	s0 =	simm.s32 @p2 $0x1  }
0x17: {  	s4 =	simm.s32 $0x1BF5;
	[smem:$0x3FB7] =	sst s0  }
0x18: {  	s0 =	sld [smem:$0x3F9A];
	_ =	swait.ge [sflag:s4], $0x0  }
0x19: {  	s7 =	sld [smem:$0x3F9B]  }
0x1a: {  	s8 =	sadd.s32 $0xFFFFE003, lr  }
0x1b: {  	s9 =	sadd.s32 $0xFFFFFEF7, lr;
	s5 =	simm.s32 $0xFFFFFFFF;
	p2 =	slt.u32 s8, $0xFFFFF086  }
0x1c: {  	p1 =	slt.u32 s9, $0xF7A;
	s5 =	simm.s32 @!p2 $0x0  }
0x1d: {  	s5 =	simm.s32 @p1 $0x1;
	p0 =	seq.s32 s7, s2  }
0x1e: {  	s7 =	smul.u32 @!p0 $0xF7A, s2;
	p2 =	seq.s32 @!p0 s5, $0x0  }
0x1f: {  	s9 =	smul.u32 $0xF7A, s1;
	s8 =	simm.s32 @!p0 $0x1BF5;
	p2 =	por !p2, p0  }
0x20: {  	[sflag:s8] =	ssyncset.s32 @!p0 $0xFFFFF086;
	s6 =	sadd.s32 @!p0 s3, s7;
	s7 =	simm.s32 @!p0 $0x108  }
0x21: {  	s3 =	sadd.s32 s3, s9;
	s6 =	sadd.s32 @!p0 $0x88, s6;
	s7 =	simm.s32 @p2 $0x1082  }
0x22: {  	[simem:s7], [sflag:s8] =	dma.local @!p0 [hbm:s6], $0xF7A  }
0x23: {  	s9 =	sor.u32 $0xD0000000, s2;
	s6 =	simm.s32 $0x108;
	_ =	swait.ge @!p0 [sflag:s8], $0x0  }
0x24: {  	s3 =	sadd.s32 $0x88, s3;
	s6 =	simm.s32 @!p1 $0x1082;
	[sflag:s4] =	ssyncset.s32 $0xFFFFF086  }
0x25: {  	[simem:s6], [sflag:s4] =	dma.local [hbm:s3], $0xF7A  }
0x26: {  	[smem:$0x3F9B] =	sst s1;
	(tag) =	ssettag s2;
	_ =	strace s9  }
0x27: {  	s1 =	sld [smem:$0x3FAB]  }
0x28: {  	s2 =	sld [smem:$0x3FAC]  }
0x29: {  	s4 =	sld [smem:$0x3FAE]  }
0x2a: {  	p0 =	seq.s32 s5, $0x0;
	s5 =	sld [smem:$0x3FAF]  }
0x2b: {  	s6 =	sld [smem:$0x3FB0]  }
0x2c: {  	s7 =	sld [smem:$0x3FB1]  }
0x2d: {  	s3 =	simm.s32 $0x108;
	s8 =	sld [smem:$0x3FB2]  }
0x2e: {  	s3 =	simm.s32 @!p0 $0x1082;
	s9 =	sld [smem:$0x3FB3]  }
0x2f: {  	lr =	sadd.s32 s0, s3;
	s0 =	sld [smem:$0x3FAA]  }
0x30: {  	s3 =	sld [smem:$0x3FAD]  }
0x31: {  	[smem:$0x3FB6] =	sst s10  }
0x32: {  	s10 =	sld [smem:$0x3FB4];
	_ =	sdelay $0x3  }
0x33: {  	p0 =	seq.s32 s10, $0x1;
	s10 =	sld [smem:$0x3FB6];
	_ =	sdelay $0x3  }
0x34: {  	[smem:$0x3FB6] =	sst s10  }
0x35: {  	s10 =	sld [smem:$0x3FB5];
	_ =	sdelay $0x3  }
0x36: {  	p1 =	seq.s32 s10, $0x1;
	s10 =	sld [smem:$0x3FB6];
	_ =	sdelay $0x3  }
0x37: {  	[smem:$0x3FB6] =	sst s10  }
0x38: {  	s10 =	sld [smem:$0x3FB7]  }
0x39: {  	_ = 	snop;
	(pc) =	sbr.ind lr, $3  }
0x3a: {  	_ = 	snop  }
0x3b: {  	_ = 	snop  }
0x3c: {  	p2 =	seq.s32 s10, $0x1;
	s10 =	sld [smem:$0x3FB6]  }
0x3d: {  	_ =	shalt  }
0x3e: {  	_ =	shalt  }
0x3f: {  	_ =	shalt  }
0x40: {  	_ =	shalt  }
0x41: {  	_ =	shalt  }
0x42: {  	_ =	shalt  }
0x43: {  	_ =	shalt  }
0x44: {  	_ =	shalt  }
0x45: {  	_ =	shalt  }
0x46: {  	_ =	shalt  }
0x47: {  	_ =	shalt  }
0x48: {  	_ =	shalt  }
0x49: {  	_ =	shalt  }
0x4a: {  	_ =	shalt  }
0x4b: {  	_ =	shalt  }
0x4c: {  	_ =	shalt  }
0x4d: {  	_ =	shalt  }
0x4e: {  	_ =	shalt  }
0x4f: {  	_ =	shalt  }
0x50: {  	_ =	shalt  }
0x51: {  	_ =	shalt  }
0x52: {  	_ =	shalt  }
0x53: {  	_ =	shalt  }
0x54: {  	_ =	shalt  }
0x55: {  	_ =	shalt  }
0x56: {  	_ =	shalt  }
0x57: {  	_ =	shalt  }
0x58: {  	_ =	shalt  }
0x59: {  	_ =	shalt  }
0x5a: {  	_ =	shalt  }
0x5b: {  	_ =	shalt  }
0x5c: {  	_ =	shalt  }
0x5d: {  	_ =	shalt  }
0x5e: {  	_ =	shalt  }
0x5f: {  	_ =	shalt  }
0x60: {  	_ =	shalt  }
0x61: {  	_ =	shalt  }
0x62: {  	_ =	shalt  }
0x63: {  	_ =	shalt  }
0x64: {  	_ =	shalt  }
0x65: {  	_ =	shalt  }
0x66: {  	_ =	shalt  }
0x67: {  	_ =	shalt  }
0x68: {  	_ =	shalt  }
0x69: {  	_ =	shalt  }
0x6a: {  	_ =	shalt  }
0x6b: {  	_ =	shalt  }
0x6c: {  	_ =	shalt  }
0x6d: {  	_ =	shalt  }
0x6e: {  	_ =	shalt  }
0x6f: {  	_ =	shalt  }
0x70: {  	_ =	shalt  }
0x71: {  	_ =	shalt  }
0x72: {  	_ =	shalt  }
0x73: {  	_ =	shalt  }
0x74: {  	_ =	shalt  }
0x75: {  	_ =	shalt  }
0x76: {  	_ =	shalt  }
0x77: {  	_ =	shalt  }
0x78: {  	_ =	shalt  }
0x79: {  	_ =	shalt  }
0x7a: {  	_ =	shalt  }
0x7b: {  	_ =	shalt  }
0x7c: {  	_ =	shalt  }
0x7d: {  	_ =	shalt  }
0x7e: {  	_ =	shalt  }
0x7f: {  	_ =	shalt  }
0x80: {  	_ =	shalt  }
0x81: {  	_ =	shalt  }
0x82: {  	_ =	shalt  }
0x83: {  	_ =	shalt  }
0x84: {  	_ =	shalt  }
0x85: {  	_ =	shalt  }
0x86: {  	_ =	shalt  }
0x87: {  	_ =	shalt  }
.Lfunc_end0:
.L_simem_size_0:
called_computation.2_lowered:
.L_overlay_start_0:
0x88: {  	s2 =	sld [smem:$0x3FD9]  }
0x89: {  	s3 =	sld [smem:$0x3FFE];
	_ =	sdelay $0x1  }
0x8a: {  	s1 =	srdreg.scid  }
0x8b: {  	s0 =	sand.u32 $0x1, s1  }
0x8c: {  	s17 =	sshll.u32 s0, $0xA;
	s2 =	sadd.s32 s3, s2  }
0x8d: {  	s2 =	sadd.s32 s2, s17  }
0x8e: {  	[smem:$0x3FC2] =	sst s2  }
0x8f: {  	_ = 	snop  }
0x90: {  	s2 =	sld [smem:$0x3FD0];
	(tm) =	ssettm $0x1  }
0x91: {  	s18 =	sld [smem:$0x3FFB];
	_ =	sdelay $0x3  }
0x92: {  	_ =	strace s18  }
0x93: {  	s3 =	sld [smem:$0x3FFC];
	_ =	sdelay $0x3  }
0x94: {  	_ =	strace s3  }
0x95: {  	s3 =	sld [smem:$0x3FFD];
	_ =	sdelay $0x3  }
0x96: {  	_ =	strace s3  }
0x97: {  	_ =	strace $0x8FFFFFFF  }
0x98: {  	s19 =	sld [smem:$0x3FDB];
	_ =	sdelay $0x1  }
0x99: {  	s4 =	simm.s32 $_scs_section_size  }
0x9a: {  	s5 =	simm.s32 $_size__tile_overlayer_lowered;
	s6 =	simm.s32 $_tile_overlayer_lowered  }
0x9b: {  	s22 =	simm.s32 $0x1BFF;
	s21 =	sshll.u32 s6, $0x1;
	s3 =	sadd.s32 s4, s19  }
0x9c: {  	s7 =	simm.s32 $0x0;
	s20 =	sshll.u32 s5, $0x1;
	s5 =	sadd.s32 s21, s3  }
0x9d: {  	[timem:s7], [sflag:s22] =	dma.local [hbm:s5], s20  }
0x9e: {  	_ =	swait.ge [sflag:s22], s20  }
0x9f: {  	s4 =	ssub.s32 $0x0, s20;
	[sflag:s22] =	ssyncset.done $0x0  }
0xa0: {  	[sflag:s22] =	ssyncadd.s32 s4;
	_ =	sdelay $0x1  }
0xa1: {  	s23 =	simm.s32 $0x1B8B  }
0xa2: {  	_ =	swait.ge [sflag:s23], $0x1  }
0xa3: {  	[sflag:s23] =	ssyncset.done $0x0  }
0xa4: {  	s25 =	simm.s32 $0x1B8E;
	s24 =	sld [smem:$0x3FFE];
	[sflag:s23] =	ssyncadd.s32 $0xFFFFFFFF  }
0xa5: {  	s26 =	simm.s32 $execute0_lowered;
	[smem:$0x3FD2] =	sst s25  }
0xa6: {  	s5 =	sshll.u32 s26, $0x1;
	_ =	strace $0x8000004C;
	[dreg:$0x1] =	wrdreg $0xFFFFFFFF  }
0xa7: {  	s28 =	simm.s32 $_size_execute0_lowered;
	s3 =	sadd.s32 s3, s5;
	[dreg:$0x0] =	wrdreg $0x0  }
0xa8: {  	s5 =	sshll.u32 s28, $0x1;
	[dreg:$0x2] =	wrdreg s3  }
0xa9: {  	[dreg:$0x3] =	wrdreg s5  }
0xaa: {  	[dreg:$0x4] =	wrdreg $0xC0  }
0xab: {  	_ =	task [dreg:s7], $0x5FFFF  }
0xac: {  	[dreg:$0x1] =	wrdreg $0xFFFFFFFF  }
0xad: {  	[dreg:$0x0] =	wrdreg $0x60  }
0xae: {  	[dreg:$0x2] =	wrdreg s24  }
0xaf: {  	[dreg:$0x3] =	wrdreg s2  }
0xb0: {  	[dreg:$0x4] =	wrdreg $0xA8000  }
0xb1: {  	[dreg:$0x5] =	wrdreg $0x9  }
0xb2: {  	_ =	task.clear_ibuf [dreg:s7], $0x6FFFF;
	_ =	strace $0x9000004C  }
0xb3: {  	s29 =	simm.s32 $0x9;
	_ =	strace $0x8000004E  }
0xb4: {  	_ =	swait.ge [sflag:s29], $0x1  }
0xb5: {  	[sflag:s29] =	ssyncadd.s32 $0xFFFFFFFF  }
0xb6: {  	_ =	strace $0x9000004E  }
0xb7: {  	_ =	sfence  }
0xb8: {  	s30 =	sld [smem:$0x0];
	_ =	sdelay $0x2  }
0xb9: {  	s31 =	sshll.u32 s1, $0xD;
	s1 =	sshrl.u32 s1, $0x2  }
0xba: {  	s3 =	sand.u32 $0x4000, s31;
	s1 =	sadd.s32 s1, s30  }
0xbb: {  	s0 =	sor.u32 s3, s0;
	s1 =	sshll.u32 s1, $0x11  }
0xbc: {  	s0 =	sor.u32 s1, s0  }
0xbd: {  	s0 =	sadd.s32 $0x8F2B, s0  }
0xbe: {  	[sflag:s0] =	ssyncadd.remote.s32 $0x1  }
0xbf: {  	_ =	sfence.sel $0xFFFF  }
0xc0: {  	[dreg:$0x0] =	wrdreg $0xFFFFFFFF;
	(pc) =	sbr.abs _section_cstart, $3  }
0xc1: {  	[dreg:$0x1] =	wrdreg $0xFFFFFFFF  }
0xc2: {  	_ =	task.clear_ibuf [dreg:s7], $0x2FFFF;
	_ =	strace $0x9FFFFFFF  }
0xc3: {  	(tm) =	ssettm $0x7FFFFFFF  }
tec
execute0_lowered:
.L_overlay_start_1:
0x0: {  	(tag) =	ssettag $0x1  }
0x1: {  	s6 =	rddreg [dreg:$0x0]  }
0x2: {  	s12 =	rddreg [dreg:$0x1]  }
0x3: {  	s1 =	rddreg [dreg:$0x2]  }
0x4: {  	s2 =	srdreg.scid;
	s0 =	rddreg [dreg:$0x3];
	s3 =	simm.s32 $0x0  }
0x5: {  	s16 =	simm.s32 $0x80;
	s17 =	simm.s32 $0x2800;
	s18 =	simm.s32 $0x6800  }
0x6: {  	s19 =	simm.s32 $0x1;
	s20 =	simm.s32 $0x2;
	s21 =	simm.s32 $0x1380  }
0x7: {  	s22 =	simm.s32 $0x2700;
	s23 =	simm.s32 $0x2780;
	s24 =	simm.s32 $0x0  }
0x8: {  	s7 =	sand.u32 $0x1, s2;
	s2 =	stileid.u32;
	[smem:$0x7FF] =	sst s3  }
0x9: {  	s4 =	sadd.s32 $0x5EA00, s6;
	s11 =	sadd.s32 $0x2A00, s6;
	s5 =	smul.u32 $0x13C000, s7  }
0xa: {  	s8 =	smul.u32 $0x13C00, s2;
	_ =	strace $0x8000004D;
	s9 =	ssub.s32 $0x2, s7  }
0xb: {  	s13 =	smul.u32 $0x4F000, s2;
	s7 =	sshll.u32 s7, $0x4;
	s30 =	sshll.u32 s2, $0x6  }
0xc: {  	s10 =	sshrl.u32 s9, $0x1;
	s28 =	sor.u32 s2, s7;
	s8 =	sadd.s32 s8, s5  }
0xd: {  	s5 =	sadd.s32 $0xD200, s6;
	s29 =	sshrl.u32 s13, $0x2;
	s31 =	smul.u32 $0x500, s28  }
0xe: {  	s9 =	ssub.s32 s9, s10;
	s8 =	sshrl.u32 s8, $0x3;
	s14 =	sadd.s32 s29, s1  }
0xf: {  	s8 =	sadd.s32 s8, s6;
	s6 =	sor.u32 $0x1C03, s30;
	s15 =	sadd.s32 $0x280, s31  }
0x10: {  	s10 =	sadd.s32 s12, s31;
	s13 =	sshrl.u32 s14, $0x3;
	s14 =	simm.s32 $0x3  }
0x11: {  	s7 =	sadd.s32 $0x86200, s8;
	s8 =	smax.u32 s9, $0x1;
	s9 =	sadd.s32 s11, s31  }
0x12: {  	s11 =	sadd.s32 s11, s15;
	s12 =	sadd.s32 s12, s15;
	s15 =	simm.s32 $0x1400  }
.LBB2_1:
0x13: {  	[spmem:s13], [sflag:s6] =	dma.local [hbm:s5], $0x2780  }
0x14: {  	_ =	swait.ge [sflag:s14], $0x2780  }
0x15: {  	[sflag:s14] =	ssyncset.done $0x0  }
0x16: {  	[sflag:s14] =	ssyncadd.s32 $0xFFFFD880  }
0x17: {  	[bflag:$0x0] =	sbarrier.arrive $0xFFFF  }
0x18: {  	[tilespmem:s3], [sflag:$0x3] =	stream.linear.gather [hbm4b:s9+s3], $0x1400, $0x38;
	[tilespmem:$0x1E400] =	vst v63  }
0x19: {  	_ =	swait.ge [sflag:s14], $0x1400  }
0x1a: {  	[sflag:s14] =	ssyncset.done $0x0  }
0x1b: {  	[sflag:s14] =	ssyncadd.s32 $0xFFFFEC00  }
0x1c: {  	[tilespmem:s15], [sflag:$0x3] =	stream.linear.gather [hbm4b:s10+s3], $0x1400, $0x38;
	[tilespmem:$0x1E400] =	vst v63  }
0x1d: {  	_ =	swait.ge [sflag:s14], $0x1400  }
0x1e: {  	[sflag:s14] =	ssyncset.done $0x0  }
0x1f: {  	[sflag:s14] =	ssyncadd.s32 $0xFFFFEC00  }
0x20: {  	[tilespmem:s17], [sflag:$0x1] =	stream.indirect.gather [hbm4b:s4+s16], $0x80, s3, s16, $0xb8;
	[tilespmem:$0x1E400] =	vst v63  }
0x21: {  	s25 =	simm.s32 $0x80  }
0x22: {  	[tilespmem:s18], [sflag:$0x2] =	stream.indirect.gather [hbm4b:s4+s16], $0x80, s25, s16, $0xb8;
	[tilespmem:$0x1E400] =	vst v63  }
0x23: {  	_ =	swait.ge [sflag:s19], $0x4000  }
0x24: {  	[sflag:s19] =	ssyncset.done $0x0  }
0x25: {  	s29 =	simm.s32 $0x1400;
	[sflag:s19] =	ssyncadd.s32 $0xFFFFC000  }
0x26: {  	[spmem:s1] =	stream.indirect.scatter.add.f32 [tilespmem:s17], [sflag:$0x3], $0x80, s29, s16, $0xb8;
	[tilespmem:$0x1E400] =	vst v63  }
0x27: {  	_ =	swait.ge [sflag:s14], $0x4000  }
0x28: {  	[sflag:s14] =	ssyncset.done $0x0  }
0x29: {  	s30 =	simm.s32 $0x100;
	[sflag:s14] =	ssyncadd.s32 $0xFFFFC000  }
0x2a: {  	[tilespmem:s17], [sflag:$0x1] =	stream.indirect.gather [hbm4b:s4+s16], $0x80, s30, s16, $0xb8;
	[tilespmem:$0x1E400] =	vst v63  }
0x2b: {  	_ =	swait.ge [sflag:s20], $0x4000  }
0x2c: {  	[sflag:s20] =	ssyncset.done $0x0  }
0x2d: {  	s31 =	simm.s32 $0x1480;
	[sflag:s20] =	ssyncadd.s32 $0xFFFFC000  }
0x2e: {  	[spmem:s1] =	stream.indirect.scatter.add.f32 [tilespmem:s18], [sflag:$0x3], $0x80, s31, s16, $0xb8;
	[tilespmem:$0x1E400] =	vst v63  }
0x2f: {  	_ =	swait.ge [sflag:s14], $0x4000  }
0x30: {  	s26 =	simm.s32 $0x800;
	s25 =	simm.s32 $0x100;
	[sflag:s14] =	ssyncset.done $0x0  }
.LBB2_2:
0x31: {  	s28 =	sadd.s32 $0x80, s25  }
0x32: {  	[sflag:s14] =	ssyncadd.s32 $0xFFFFC000;
	s29 =	smov.u32 s26;
	s30 =	sadd.s32 $0x400, s26  }
0x33: {  	[tilespmem:s18], [sflag:$0x2] =	stream.indirect.gather [hbm4b:s4+s16], $0x80, s28, s16, $0xb8;
	[tilespmem:$0x1E400] =	vst v63  }
0x34: {  	p0 =	sne.s32 s26, $0x4800;
	_ =	swait.ge [sflag:s19], $0x4000  }
0x35: {  	[sflag:s19] =	ssyncset.done $0x0  }
0x36: {  	s26 =	sadd.s32 $0x1400, s25;
	[sflag:s19] =	ssyncadd.s32 $0xFFFFC000  }
0x37: {  	[spmem:s1] =	stream.indirect.scatter.add.f32 [tilespmem:s17], [sflag:$0x3], $0x80, s26, s16, $0xb8;
	[tilespmem:$0x1E400] =	vst v63  }
0x38: {  	_ =	swait.ge [sflag:s14], $0x4000  }
0x39: {  	[sflag:s14] =	ssyncset.done $0x0  }
0x3a: {  	s26 =	sadd.s32 $0x100, s25;
	[sflag:s14] =	ssyncadd.s32 $0xFFFFC000  }
0x3b: {  	[tilespmem:s17], [sflag:$0x1] =	stream.indirect.gather [hbm4b:s4+s16], $0x80, s26, s16, $0xb8;
	[tilespmem:$0x1E400] =	vst v63  }
0x3c: {  	_ =	swait.ge [sflag:s20], $0x4000  }
.Ltmp0:
0x3d: {  	[sflag:s20] =	ssyncset.done $0x0;
	(pc) =	sbr.rel @p0 .LBB2_2-.Ltmp0, $4  }
0x3e: {  	s25 =	sadd.s32 $0x1480, s25;
	[sflag:s20] =	ssyncadd.s32 $0xFFFFC000  }
0x3f: {  	[spmem:s1] =	stream.indirect.scatter.add.f32 [tilespmem:s18], [sflag:$0x3], $0x80, s25, s16, $0xb8;
	[tilespmem:$0x1E400] =	vst v63  }
0x40: {  	_ =	swait.ge [sflag:s14], $0x4000  }
0x41: {  	s26 =	smov.u32 s30;
	s25 =	sshra.s32 s29, $0x2;
	[sflag:s14] =	ssyncset.done $0x0  }
0x42: {  	s26 =	sadd.s32 $0x80, s25;
	[sflag:s14] =	ssyncadd.s32 $0xFFFFC000  }
0x43: {  	[tilespmem:s18], [sflag:$0x2] =	stream.indirect.gather [hbm4b:s4+s16], $0x80, s26, s16, $0xb8;
	[tilespmem:$0x1E400] =	vst v63  }
0x44: {  	_ =	swait.ge [sflag:s19], $0x4000  }
0x45: {  	[sflag:s19] =	ssyncset.done $0x0  }
0x46: {  	s29 =	sadd.s32 $0x1400, s25;
	[sflag:s19] =	ssyncadd.s32 $0xFFFFC000  }
0x47: {  	[spmem:s1] =	stream.indirect.scatter.add.f32 [tilespmem:s17], [sflag:$0x3], $0x80, s29, s16, $0xb8;
	[tilespmem:$0x1E400] =	vst v63  }
0x48: {  	_ =	swait.ge [sflag:s14], $0x4000  }
0x49: {  	[sflag:s14] =	ssyncset.done $0x0  }
0x4a: {  	s30 =	sadd.s32 $0x100, s25;
	[sflag:s14] =	ssyncadd.s32 $0xFFFFC000  }
0x4b: {  	[tilespmem:s17], [sflag:$0x1] =	stream.indirect.gather [hbm4b:s4+s16], $0x80, s30, s16, $0xb8;
	[tilespmem:$0x1E400] =	vst v63  }
0x4c: {  	_ =	swait.ge [sflag:s20], $0x4000  }
0x4d: {  	[sflag:s20] =	ssyncset.done $0x0  }
0x4e: {  	s31 =	sadd.s32 $0x1480, s25;
	[sflag:s20] =	ssyncadd.s32 $0xFFFFC000  }
0x4f: {  	[spmem:s1] =	stream.indirect.scatter.add.f32 [tilespmem:s18], [sflag:$0x3], $0x80, s31, s16, $0xb8;
	[tilespmem:$0x1E400] =	vst v63  }
0x50: {  	_ =	swait.ge [sflag:s14], $0x4000  }
0x51: {  	[sflag:s14] =	ssyncset.done $0x0  }
0x52: {  	[sflag:s14] =	ssyncadd.s32 $0xFFFFC000  }
0x53: {  	[tilespmem:s18], [sflag:$0x2] =	stream.indirect.gather [hbm4b:s4+s16], $0x80, s21, s16, $0xb8;
	[tilespmem:$0x1E400] =	vst v63  }
0x54: {  	_ =	swait.ge [sflag:s19], $0x4000  }
0x55: {  	[sflag:s19] =	ssyncset.done $0x0  }
0x56: {  	[sflag:s19] =	ssyncadd.s32 $0xFFFFC000  }
0x57: {  	[spmem:s1] =	stream.indirect.scatter.add.f32 [tilespmem:s17], [sflag:$0x3], $0x80, s22, s16, $0xb8;
	[tilespmem:$0x1E400] =	vst v63  }
0x58: {  	_ =	swait.ge [sflag:s14], $0x4000  }
0x59: {  	[sflag:s14] =	ssyncset.done $0x0  }
0x5a: {  	[sflag:s14] =	ssyncadd.s32 $0xFFFFC000  }
0x5b: {  	_ =	swait.ge [sflag:s20], $0x4000  }
0x5c: {  	[sflag:s20] =	ssyncset.done $0x0  }
0x5d: {  	[sflag:s20] =	ssyncadd.s32 $0xFFFFC000  }
0x5e: {  	[spmem:s1] =	stream.indirect.scatter.add.f32 [tilespmem:s18], [sflag:$0x3], $0x80, s23, s16, $0xb8;
	[tilespmem:$0x1E400] =	vst v63  }
0x5f: {  	_ =	swait.ge [sflag:s14], $0x4000  }
0x60: {  	[sflag:s14] =	ssyncset.done $0x0  }
0x61: {  	s26 =	simm.s32 $0x0;
	[sflag:s14] =	ssyncadd.s32 $0xFFFFC000  }
0x62: {  	[tilespmem:s26], [sflag:$0x3] =	stream.linear.gather [hbm4b:s11+s26], $0x1400, $0x38;
	[tilespmem:$0x1E400] =	vst v63  }
0x63: {  	_ =	swait.ge [sflag:s14], $0x1400  }
0x64: {  	[sflag:s14] =	ssyncset.done $0x0  }
0x65: {  	[sflag:s14] =	ssyncadd.s32 $0xFFFFEC00  }
0x66: {  	[tilespmem:s15], [sflag:$0x3] =	stream.linear.gather [hbm4b:s12+s26], $0x1400, $0x38;
	[tilespmem:$0x1E400] =	vst v63  }
0x67: {  	_ =	swait.ge [sflag:s14], $0x1400  }
0x68: {  	[sflag:s14] =	ssyncset.done $0x0  }
0x69: {  	[sflag:s14] =	ssyncadd.s32 $0xFFFFEC00  }
0x6a: {  	[tilespmem:s17], [sflag:$0x1] =	stream.indirect.gather [hbm4b:s4+s16], $0x80, s26, s16, $0xb8;
	[tilespmem:$0x1E400] =	vst v63  }
0x6b: {  	s28 =	simm.s32 $0x80  }
0x6c: {  	[tilespmem:s18], [sflag:$0x2] =	stream.indirect.gather [hbm4b:s4+s16], $0x80, s28, s16, $0xb8;
	[tilespmem:$0x1E400] =	vst v63  }
0x6d: {  	_ =	swait.ge [sflag:s19], $0x4000  }
0x6e: {  	[sflag:s19] =	ssyncset.done $0x0  }
0x6f: {  	s29 =	simm.s32 $0x1400;
	[sflag:s19] =	ssyncadd.s32 $0xFFFFC000  }
0x70: {  	[spmem:s1] =	stream.indirect.scatter.add.f32 [tilespmem:s17], [sflag:$0x3], $0x80, s29, s16, $0xb8;
	[tilespmem:$0x1E400] =	vst v63  }
0x71: {  	_ =	swait.ge [sflag:s14], $0x4000  }
0x72: {  	[sflag:s14] =	ssyncset.done $0x0  }
0x73: {  	s30 =	simm.s32 $0x100;
	[sflag:s14] =	ssyncadd.s32 $0xFFFFC000  }
0x74: {  	[tilespmem:s17], [sflag:$0x1] =	stream.indirect.gather [hbm4b:s4+s16], $0x80, s30, s16, $0xb8;
	[tilespmem:$0x1E400] =	vst v63  }
0x75: {  	_ =	swait.ge [sflag:s20], $0x4000  }
0x76: {  	[sflag:s20] =	ssyncset.done $0x0  }
0x77: {  	s31 =	simm.s32 $0x1480;
	[sflag:s20] =	ssyncadd.s32 $0xFFFFC000  }
0x78: {  	[spmem:s1] =	stream.indirect.scatter.add.f32 [tilespmem:s18], [sflag:$0x3], $0x80, s31, s16, $0xb8;
	[tilespmem:$0x1E400] =	vst v63  }
0x79: {  	_ =	swait.ge [sflag:s14], $0x4000  }
0x7a: {  	s25 =	simm.s32 $0x100;
	s26 =	simm.s32 $0x800;
	[sflag:s14] =	ssyncset.done $0x0  }
.LBB2_4:
0x7b: {  	s28 =	sadd.s32 $0x80, s25  }
0x7c: {  	[sflag:s14] =	ssyncadd.s32 $0xFFFFC000;
	s29 =	smov.u32 s26;
	s30 =	sadd.s32 $0x400, s26  }
0x7d: {  	[tilespmem:s18], [sflag:$0x2] =	stream.indirect.gather [hbm4b:s4+s16], $0x80, s28, s16, $0xb8;
	[tilespmem:$0x1E400] =	vst v63  }
0x7e: {  	p0 =	sne.s32 s26, $0x4800;
	_ =	swait.ge [sflag:s19], $0x4000  }
0x7f: {  	[sflag:s19] =	ssyncset.done $0x0  }
0x80: {  	s26 =	sadd.s32 $0x1400, s25;
	[sflag:s19] =	ssyncadd.s32 $0xFFFFC000  }
0x81: {  	[spmem:s1] =	stream.indirect.scatter.add.f32 [tilespmem:s17], [sflag:$0x3], $0x80, s26, s16, $0xb8;
	[tilespmem:$0x1E400] =	vst v63  }
0x82: {  	_ =	swait.ge [sflag:s14], $0x4000  }
0x83: {  	[sflag:s14] =	ssyncset.done $0x0  }
0x84: {  	s26 =	sadd.s32 $0x100, s25;
	[sflag:s14] =	ssyncadd.s32 $0xFFFFC000  }
0x85: {  	[tilespmem:s17], [sflag:$0x1] =	stream.indirect.gather [hbm4b:s4+s16], $0x80, s26, s16, $0xb8;
	[tilespmem:$0x1E400] =	vst v63  }
0x86: {  	_ =	swait.ge [sflag:s20], $0x4000  }
.Ltmp1:
0x87: {  	[sflag:s20] =	ssyncset.done $0x0;
	(pc) =	sbr.rel @p0 .LBB2_4-.Ltmp1, $4  }
0x88: {  	s25 =	sadd.s32 $0x1480, s25;
	[sflag:s20] =	ssyncadd.s32 $0xFFFFC000  }
0x89: {  	[spmem:s1] =	stream.indirect.scatter.add.f32 [tilespmem:s18], [sflag:$0x3], $0x80, s25, s16, $0xb8;
	[tilespmem:$0x1E400] =	vst v63  }
0x8a: {  	_ =	swait.ge [sflag:s14], $0x4000  }
0x8b: {  	s26 =	smov.u32 s30;
	s25 =	sshra.s32 s29, $0x2;
	[sflag:s14] =	ssyncset.done $0x0  }
0x8c: {  	s26 =	sadd.s32 $0x80, s25;
	[sflag:s14] =	ssyncadd.s32 $0xFFFFC000  }
0x8d: {  	[tilespmem:s18], [sflag:$0x2] =	stream.indirect.gather [hbm4b:s4+s16], $0x80, s26, s16, $0xb8;
	[tilespmem:$0x1E400] =	vst v63  }
0x8e: {  	_ =	swait.ge [sflag:s19], $0x4000  }
0x8f: {  	[sflag:s19] =	ssyncset.done $0x0  }
0x90: {  	s29 =	sadd.s32 $0x1400, s25;
	[sflag:s19] =	ssyncadd.s32 $0xFFFFC000  }
0x91: {  	[spmem:s1] =	stream.indirect.scatter.add.f32 [tilespmem:s17], [sflag:$0x3], $0x80, s29, s16, $0xb8;
	[tilespmem:$0x1E400] =	vst v63  }
0x92: {  	_ =	swait.ge [sflag:s14], $0x4000  }
0x93: {  	[sflag:s14] =	ssyncset.done $0x0  }
0x94: {  	s30 =	sadd.s32 $0x100, s25;
	[sflag:s14] =	ssyncadd.s32 $0xFFFFC000  }
0x95: {  	[tilespmem:s17], [sflag:$0x1] =	stream.indirect.gather [hbm4b:s4+s16], $0x80, s30, s16, $0xb8;
	[tilespmem:$0x1E400] =	vst v63  }
0x96: {  	_ =	swait.ge [sflag:s20], $0x4000  }
0x97: {  	[sflag:s20] =	ssyncset.done $0x0  }
0x98: {  	s31 =	sadd.s32 $0x1480, s25;
	[sflag:s20] =	ssyncadd.s32 $0xFFFFC000  }
0x99: {  	[spmem:s1] =	stream.indirect.scatter.add.f32 [tilespmem:s18], [sflag:$0x3], $0x80, s31, s16, $0xb8;
	[tilespmem:$0x1E400] =	vst v63  }
0x9a: {  	_ =	swait.ge [sflag:s14], $0x4000  }
0x9b: {  	[sflag:s14] =	ssyncset.done $0x0  }
0x9c: {  	[sflag:s14] =	ssyncadd.s32 $0xFFFFC000  }
0x9d: {  	[tilespmem:s18], [sflag:$0x2] =	stream.indirect.gather [hbm4b:s4+s16], $0x80, s21, s16, $0xb8;
	[tilespmem:$0x1E400] =	vst v63  }
0x9e: {  	_ =	swait.ge [sflag:s19], $0x4000  }
0x9f: {  	[sflag:s19] =	ssyncset.done $0x0  }
0xa0: {  	[sflag:s19] =	ssyncadd.s32 $0xFFFFC000  }
0xa1: {  	[spmem:s1] =	stream.indirect.scatter.add.f32 [tilespmem:s17], [sflag:$0x3], $0x80, s22, s16, $0xb8;
	[tilespmem:$0x1E400] =	vst v63  }
0xa2: {  	_ =	swait.ge [sflag:s14], $0x4000  }
0xa3: {  	[sflag:s14] =	ssyncset.done $0x0  }
0xa4: {  	[sflag:s14] =	ssyncadd.s32 $0xFFFFC000  }
0xa5: {  	_ =	swait.ge [sflag:s20], $0x4000  }
0xa6: {  	[sflag:s20] =	ssyncset.done $0x0  }
0xa7: {  	[sflag:s20] =	ssyncadd.s32 $0xFFFFC000  }
0xa8: {  	[spmem:s1] =	stream.indirect.scatter.add.f32 [tilespmem:s18], [sflag:$0x3], $0x80, s23, s16, $0xb8;
	[tilespmem:$0x1E400] =	vst v63  }
0xa9: {  	_ =	swait.ge [sflag:s14], $0x4000  }
0xaa: {  	s24 =	sadd.s32 $0x1, s24;
	[sflag:s14] =	ssyncset.done $0x0  }
0xab: {  	p0 =	sne.s32 s24, s8;
	[sflag:s14] =	ssyncadd.s32 $0xFFFFC000  }
.Ltmp2:
0xac: {  	[bflag:$0x0] =	sbarrier.arrive $0xFFFF;
	(pc) =	sbr.rel @p0 .LBB2_1-.Ltmp2, $4  }
0xad: {  	[hbm:s7], [sflag:s6] =	dma.local [spmem:s13], $0x2780  }
0xae: {  	_ =	swait.ge [sflag:s14], $0x2780  }
0xaf: {  	[sflag:s14] =	ssyncset.done $0x0  }
0xb0: {  	[sflag:s14] =	ssyncadd.s32 $0xFFFFD880  }
0xb1: {  	_ =	sfence.sel $0x180000  }
0xb2: {  	[bflag:$0x0] =	sbarrier.arrive $0xFFFF  }
0xb3: {  	p0 =	sne.s32 s2, $0x0;
	_ =	strace $0x9000004D  }
0xb4: {  	s0 =	sadd.s32 @!p0 $0x100000, s0;
	[bflag:$0x2] =	sbarrier.arrive $0xFFFF  }
0xb5: {  	[sflag:s0] =	ssyncadd.tile.s32 @!p0 $0x1;
	_ =	shalt  }
.Lfunc_end2:
_tile_overlayer_lowered:
.L_overlay_start_2:
0xb6: {  	(tag) =	ssettag $0x2  }
0xb7: {  	s0 =	rddreg [dreg:$0x0];
	s2 =	stileid.u32  }
0xb8: {  	s1 =	rddreg [dreg:$0x1];
	p0 =	sne.s32 s2, $0x0  }
0xb9: {  	s3 =	rddreg [dreg:$0x2];
	[bflag:$0x3] =	sbarrier.arrive $0xFFFF;
	s2 =	simm.s32 @!p0 $0x1C03  }
0xba: {  	[timem:s3], [sflag:s2] =	dma.local @!p0 [hbm:s0], s1  }
0xbb: {  	s0 =	simm.s32 @!p0 $0x3  }
0xbc: {  	_ =	swait.ge @!p0 [sflag:s0], s1  }
0xbd: {  	s1 =	ssub.s32 @!p0 $0x0, s1;
	[sflag:s0] =	ssyncset.done @!p0 $0x0  }
0xbe: {  	[sflag:s0] =	ssyncadd.s32 @!p0 s1  }
0xbf: {  	[bflag:$0x3] =	sbarrier.arrive $0xFFFF  }
0xc0: {  	_ =	shalt  }

// kernel: kernel.8.cloned.1.call-start
scs
__scs_entry_jumppad:
0x0: {  	(pc) =	sbr.rel $0x88, $3  }
0x1: {  	(tag) =	ssettag $0x0;
	lr =	simm.s32 $0x1  }
0x2: {  	[smem:$0x3F9B] =	sst lr;
	_ =	strace $0xD0000000  }
0x3: {  	_ = 	snop  }
0x4: {  	_ = 	snop  }
0x5: {  	_ = 	snop  }
0x6: {  	_ = 	snop  }
0x7: {  	_ = 	snop  }
__scs_overlays_trampoline_lowered:
0x8: {  	[smem:$0x3FAA] =	sst s0  }
0x9: {  	[smem:$0x3FAB] =	sst s1  }
0xa: {  	[smem:$0x3FAC] =	sst s2  }
0xb: {  	[smem:$0x3FAD] =	sst s3  }
0xc: {  	[smem:$0x3FAE] =	sst s4  }
0xd: {  	[smem:$0x3FAF] =	sst s5  }
0xe: {  	[smem:$0x3FB0] =	sst s6  }
0xf: {  	[smem:$0x3FB1] =	sst s7  }
0x10: {  	[smem:$0x3FB2] =	sst s8  }
0x11: {  	[smem:$0x3FB3] =	sst s9;
	s0 =	simm.s32 @!p0 $0x0  }
0x12: {  	s1 =	sld [smem:$0x3F99];
	s0 =	simm.s32 @p0 $0x1  }
0x13: {  	[smem:$0x3FB4] =	sst s0;
	s0 =	simm.s32 @!p1 $0x0  }
0x14: {  	s2 =	sld [smem:$0x3F98];
	s0 =	simm.s32 @p1 $0x1  }
0x15: {  	[smem:$0x3FB5] =	sst s0;
	s0 =	simm.s32 @!p2 $0x0  }
0x16: {  	s3 =	sld [smem:$0x3FDB];
	s0 =	simm.s32 @p2 $0x1  }
0x17: {  	s4 =	simm.s32 $0x1BF5;
	[smem:$0x3FB7] =	sst s0  }
0x18: {  	s0 =	sld [smem:$0x3F9A];
	_ =	swait.ge [sflag:s4], $0x0  }
0x19: {  	s7 =	sld [smem:$0x3F9B]  }
0x1a: {  	s8 =	sadd.s32 $0xFFFFE003, lr  }
0x1b: {  	s9 =	sadd.s32 $0xFFFFFEF7, lr;
	s5 =	simm.s32 $0xFFFFFFFF;
	p2 =	slt.u32 s8, $0xFFFFF086  }
0x1c: {  	p1 =	slt.u32 s9, $0xF7A;
	s5 =	simm.s32 @!p2 $0x0  }
0x1d: {  	s5 =	simm.s32 @p1 $0x1;
	p0 =	seq.s32 s7, s2  }
0x1e: {  	s7 =	smul.u32 @!p0 $0xF7A, s2;
	p2 =	seq.s32 @!p0 s5, $0x0  }
0x1f: {  	s9 =	smul.u32 $0xF7A, s1;
	s8 =	simm.s32 @!p0 $0x1BF5;
	p2 =	por !p2, p0  }
0x20: {  	[sflag:s8] =	ssyncset.s32 @!p0 $0xFFFFF086;
	s6 =	sadd.s32 @!p0 s3, s7;
	s7 =	simm.s32 @!p0 $0x108  }
0x21: {  	s3 =	sadd.s32 s3, s9;
	s6 =	sadd.s32 @!p0 $0x88, s6;
	s7 =	simm.s32 @p2 $0x1082  }
0x22: {  	[simem:s7], [sflag:s8] =	dma.local @!p0 [hbm:s6], $0xF7A  }
0x23: {  	s9 =	sor.u32 $0xD0000000, s2;
	s6 =	simm.s32 $0x108;
	_ =	swait.ge @!p0 [sflag:s8], $0x0  }
0x24: {  	s3 =	sadd.s32 $0x88, s3;
	s6 =	simm.s32 @!p1 $0x1082;
	[sflag:s4] =	ssyncset.s32 $0xFFFFF086  }
0x25: {  	[simem:s6], [sflag:s4] =	dma.local [hbm:s3], $0xF7A  }
0x26: {  	[smem:$0x3F9B] =	sst s1;
	(tag) =	ssettag s2;
	_ =	strace s9  }
0x27: {  	s1 =	sld [smem:$0x3FAB]  }
0x28: {  	s2 =	sld [smem:$0x3FAC]  }
0x29: {  	s4 =	sld [smem:$0x3FAE]  }
0x2a: {  	p0 =	seq.s32 s5, $0x0;
	s5 =	sld [smem:$0x3FAF]  }
0x2b: {  	s6 =	sld [smem:$0x3FB0]  }
0x2c: {  	s7 =	sld [smem:$0x3FB1]  }
0x2d: {  	s3 =	simm.s32 $0x108;
	s8 =	sld [smem:$0x3FB2]  }
0x2e: {  	s3 =	simm.s32 @!p0 $0x1082;
	s9 =	sld [smem:$0x3FB3]  }
0x2f: {  	lr =	sadd.s32 s0, s3;
	s0 =	sld [smem:$0x3FAA]  }
0x30: {  	s3 =	sld [smem:$0x3FAD]  }
0x31: {  	[smem:$0x3FB6] =	sst s10  }
0x32: {  	s10 =	sld [smem:$0x3FB4];
	_ =	sdelay $0x3  }
0x33: {  	p0 =	seq.s32 s10, $0x1;
	s10 =	sld [smem:$0x3FB6];
	_ =	sdelay $0x3  }
0x34: {  	[smem:$0x3FB6] =	sst s10  }
0x35: {  	s10 =	sld [smem:$0x3FB5];
	_ =	sdelay $0x3  }
0x36: {  	p1 =	seq.s32 s10, $0x1;
	s10 =	sld [smem:$0x3FB6];
	_ =	sdelay $0x3  }
0x37: {  	[smem:$0x3FB6] =	sst s10  }
0x38: {  	s10 =	sld [smem:$0x3FB7]  }
0x39: {  	_ = 	snop;
	(pc) =	sbr.ind lr, $3  }
0x3a: {  	_ = 	snop  }
0x3b: {  	_ = 	snop  }
0x3c: {  	p2 =	seq.s32 s10, $0x1;
	s10 =	sld [smem:$0x3FB6]  }
0x3d: {  	_ =	shalt  }
0x3e: {  	_ =	shalt  }
0x3f: {  	_ =	shalt  }
0x40: {  	_ =	shalt  }
0x41: {  	_ =	shalt  }
0x42: {  	_ =	shalt  }
0x43: {  	_ =	shalt  }
0x44: {  	_ =	shalt  }
0x45: {  	_ =	shalt  }
0x46: {  	_ =	shalt  }
0x47: {  	_ =	shalt  }
0x48: {  	_ =	shalt  }
0x49: {  	_ =	shalt  }
0x4a: {  	_ =	shalt  }
0x4b: {  	_ =	shalt  }
0x4c: {  	_ =	shalt  }
0x4d: {  	_ =	shalt  }
0x4e: {  	_ =	shalt  }
0x4f: {  	_ =	shalt  }
0x50: {  	_ =	shalt  }
0x51: {  	_ =	shalt  }
0x52: {  	_ =	shalt  }
0x53: {  	_ =	shalt  }
0x54: {  	_ =	shalt  }
0x55: {  	_ =	shalt  }
0x56: {  	_ =	shalt  }
0x57: {  	_ =	shalt  }
0x58: {  	_ =	shalt  }
0x59: {  	_ =	shalt  }
0x5a: {  	_ =	shalt  }
0x5b: {  	_ =	shalt  }
0x5c: {  	_ =	shalt  }
0x5d: {  	_ =	shalt  }
0x5e: {  	_ =	shalt  }
0x5f: {  	_ =	shalt  }
0x60: {  	_ =	shalt  }
0x61: {  	_ =	shalt  }
0x62: {  	_ =	shalt  }
0x63: {  	_ =	shalt  }
0x64: {  	_ =	shalt  }
0x65: {  	_ =	shalt  }
0x66: {  	_ =	shalt  }
0x67: {  	_ =	shalt  }
0x68: {  	_ =	shalt  }
0x69: {  	_ =	shalt  }
0x6a: {  	_ =	shalt  }
0x6b: {  	_ =	shalt  }
0x6c: {  	_ =	shalt  }
0x6d: {  	_ =	shalt  }
0x6e: {  	_ =	shalt  }
0x6f: {  	_ =	shalt  }
0x70: {  	_ =	shalt  }
0x71: {  	_ =	shalt  }
0x72: {  	_ =	shalt  }
0x73: {  	_ =	shalt  }
0x74: {  	_ =	shalt  }
0x75: {  	_ =	shalt  }
0x76: {  	_ =	shalt  }
0x77: {  	_ =	shalt  }
0x78: {  	_ =	shalt  }
0x79: {  	_ =	shalt  }
0x7a: {  	_ =	shalt  }
0x7b: {  	_ =	shalt  }
0x7c: {  	_ =	shalt  }
0x7d: {  	_ =	shalt  }
0x7e: {  	_ =	shalt  }
0x7f: {  	_ =	shalt  }
0x80: {  	_ =	shalt  }
0x81: {  	_ =	shalt  }
0x82: {  	_ =	shalt  }
0x83: {  	_ =	shalt  }
0x84: {  	_ =	shalt  }
0x85: {  	_ =	shalt  }
0x86: {  	_ =	shalt  }
0x87: {  	_ =	shalt  }
.Lfunc_end0:
.L_simem_size_0:
called_computation_lowered:
.L_overlay_start_0:
0x88: {  	s2 =	sld [smem:$0x3FD9]  }
0x89: {  	s3 =	sld [smem:$0x3FFE];
	_ =	sdelay $0x1  }
0x8a: {  	s1 =	srdreg.scid  }
0x8b: {  	s0 =	sand.u32 $0x1, s1  }
0x8c: {  	s17 =	sshll.u32 s0, $0xA;
	s2 =	sadd.s32 s3, s2  }
0x8d: {  	s2 =	sadd.s32 s2, s17  }
0x8e: {  	[smem:$0x3FC2] =	sst s2  }
0x8f: {  	_ = 	snop  }
0x90: {  	s2 =	sld [smem:$0x3FD0];
	(tm) =	ssettm $0x1  }
0x91: {  	s18 =	sld [smem:$0x3FFB];
	_ =	sdelay $0x3  }
0x92: {  	_ =	strace s18  }
0x93: {  	s3 =	sld [smem:$0x3FFC];
	_ =	sdelay $0x3  }
0x94: {  	_ =	strace s3  }
0x95: {  	s3 =	sld [smem:$0x3FFD];
	_ =	sdelay $0x3  }
0x96: {  	_ =	strace s3  }
0x97: {  	_ =	strace $0x8FFFFFFF  }
0x98: {  	s19 =	sld [smem:$0x3FDB];
	_ =	sdelay $0x1  }
0x99: {  	s4 =	simm.s32 $_scs_section_size  }
0x9a: {  	s5 =	simm.s32 $_size__tile_overlayer_lowered;
	s6 =	simm.s32 $_tile_overlayer_lowered  }
0x9b: {  	s22 =	simm.s32 $0x1BFF;
	s21 =	sshll.u32 s6, $0x1;
	s3 =	sadd.s32 s4, s19  }
0x9c: {  	s7 =	simm.s32 $0x0;
	s20 =	sshll.u32 s5, $0x1;
	s5 =	sadd.s32 s21, s3  }
0x9d: {  	[timem:s7], [sflag:s22] =	dma.local [hbm:s5], s20  }
0x9e: {  	_ =	swait.ge [sflag:s22], s20  }
0x9f: {  	s4 =	ssub.s32 $0x0, s20;
	[sflag:s22] =	ssyncset.done $0x0  }
0xa0: {  	[sflag:s22] =	ssyncadd.s32 s4;
	_ =	sdelay $0x1  }
0xa1: {  	s23 =	simm.s32 $0x1B8B  }
0xa2: {  	_ =	swait.ge [sflag:s23], $0x1  }
0xa3: {  	[sflag:s23] =	ssyncset.done $0x0  }
0xa4: {  	s25 =	simm.s32 $0x1B8E;
	s24 =	sld [smem:$0x3FFE];
	[sflag:s23] =	ssyncadd.s32 $0xFFFFFFFF  }
0xa5: {  	s26 =	simm.s32 $execute0_lowered;
	[smem:$0x3FD2] =	sst s25  }
0xa6: {  	s5 =	sshll.u32 s26, $0x1;
	_ =	strace $0x80000046;
	[dreg:$0x1] =	wrdreg $0xFFFFFFFF  }
0xa7: {  	s28 =	simm.s32 $_size_execute0_lowered;
	s3 =	sadd.s32 s3, s5;
	[dreg:$0x0] =	wrdreg $0x0  }
0xa8: {  	s5 =	sshll.u32 s28, $0x1;
	[dreg:$0x2] =	wrdreg s3  }
0xa9: {  	[dreg:$0x3] =	wrdreg s5  }
0xaa: {  	[dreg:$0x4] =	wrdreg $0xC0  }
0xab: {  	_ =	task [dreg:s7], $0x5FFFF  }
0xac: {  	[dreg:$0x1] =	wrdreg $0xFFFFFFFF  }
0xad: {  	[dreg:$0x0] =	wrdreg $0x60  }
0xae: {  	[dreg:$0x2] =	wrdreg s2  }
0xaf: {  	[dreg:$0x3] =	wrdreg s24  }
0xb0: {  	[dreg:$0x4] =	wrdreg $0x68000  }
0xb1: {  	[dreg:$0x5] =	wrdreg $0x9  }
0xb2: {  	_ =	task.clear_ibuf [dreg:s7], $0x6FFFF;
	_ =	strace $0x90000046  }
0xb3: {  	s29 =	simm.s32 $0x9;
	_ =	strace $0x80000048  }
0xb4: {  	_ =	swait.ge [sflag:s29], $0x1  }
0xb5: {  	[sflag:s29] =	ssyncadd.s32 $0xFFFFFFFF  }
0xb6: {  	_ =	strace $0x90000048  }
0xb7: {  	_ =	sfence  }
0xb8: {  	s30 =	sld [smem:$0x0];
	_ =	sdelay $0x2  }
0xb9: {  	s31 =	sshll.u32 s1, $0xD;
	s1 =	sshrl.u32 s1, $0x2  }
0xba: {  	s3 =	sand.u32 $0x4000, s31;
	s1 =	sadd.s32 s1, s30  }
0xbb: {  	s0 =	sor.u32 s3, s0;
	s1 =	sshll.u32 s1, $0x11  }
0xbc: {  	s0 =	sor.u32 s1, s0  }
0xbd: {  	s0 =	sadd.s32 $0x8F2B, s0  }
0xbe: {  	[sflag:s0] =	ssyncadd.remote.s32 $0x1  }
0xbf: {  	_ =	sfence.sel $0xFFFF  }
0xc0: {  	[dreg:$0x0] =	wrdreg $0xFFFFFFFF;
	(pc) =	sbr.abs _section_cstart, $3  }
0xc1: {  	[dreg:$0x1] =	wrdreg $0xFFFFFFFF  }
0xc2: {  	_ =	task.clear_ibuf [dreg:s7], $0x2FFFF;
	_ =	strace $0x9FFFFFFF  }
0xc3: {  	(tm) =	ssettm $0x7FFFFFFF  }
tec
execute0_lowered:
.L_overlay_start_1:
0x0: {  	(tag) =	ssettag $0x1  }
0x1: {  	s7 =	rddreg [dreg:$0x0]  }
0x2: {  	s6 =	rddreg [dreg:$0x1]  }
0x3: {  	s0 =	srdreg.scid;
	s2 =	rddreg [dreg:$0x2]  }
0x4: {  	s1 =	stileid.u32;
	s3 =	simm.s32 $0x0;
	s13 =	simm.s32 $0x80  }
0x5: {  	s14 =	simm.s32 $0x1;
	s15 =	simm.s32 $0x0;
	s5 =	smul.u32 $0x13C00, s1  }
0x6: {  	s8 =	sand.u32 $0x1, s0;
	s0 =	rddreg [dreg:$0x3];
	s11 =	smul.u32 $0x4F000, s1  }
0x7: {  	[smem:$0x7FF] =	sst s3;
	s12 =	sshll.u32 s1, $0x6;
	s4 =	smul.u32 $0x13C000, s8  }
0x8: {  	_ =	strace $0x80000047;
	s10 =	ssub.s32 $0x2, s8;
	s8 =	sshll.u32 s8, $0x4  }
0x9: {  	s31 =	sshrl.u32 s10, $0x1;
	s8 =	sor.u32 s1, s8;
	s11 =	sshrl.u32 s11, $0x2  }
0xa: {  	s9 =	sadd.s32 s5, s4;
	s4 =	sadd.s32 $0xCA00, s6;
	s5 =	sadd.s32 $0xD200, s6  }
0xb: {  	s8 =	smul.u32 $0x500, s8;
	s10 =	ssub.s32 s10, s31;
	s9 =	sshrl.u32 s9, $0x3  }
0xc: {  	s11 =	sadd.s32 s11, s2;
	s9 =	sadd.s32 s9, s6;
	s6 =	sor.u32 $0x1C02, s12  }
0xd: {  	s7 =	sadd.s32 s7, s8;
	s12 =	simm.s32 $0x2800;
	s8 =	sadd.s32 $0xFA00, s9  }
0xe: {  	s9 =	smax.u32 s10, $0x1;
	s10 =	sshrl.u32 s11, $0x3;
	s11 =	simm.s32 $0x2  }
.LBB2_1:
0xf: {  	[spmem:s10], [sflag:s6] =	dma.local [hbm:s5], $0x2780  }
0x10: {  	_ =	swait.ge [sflag:s11], $0x2780  }
0x11: {  	[sflag:s11] =	ssyncset.done $0x0  }
0x12: {  	[sflag:s11] =	ssyncadd.s32 $0xFFFFD880  }
0x13: {  	[tilespmem:s12], [sflag:$0x2] =	stream.linear.gather [hbm4b:s4+s3], $0x4000, $0x38;
	[tilespmem:$0x1A400] =	vst v63  }
0x14: {  	_ =	swait.ge [sflag:s11], $0x4000  }
0x15: {  	[sflag:s11] =	ssyncset.done $0x0  }
0x16: {  	[sflag:s11] =	ssyncadd.s32 $0xFFFFC000  }
0x17: {  	[tilespmem:s3], [sflag:$0x2] =	stream.linear.gather [hbm4b:s7+s3], $0x2800, $0x38;
	[tilespmem:$0x1A400] =	vst v63  }
0x18: {  	_ =	swait.ge [sflag:s11], $0x2800  }
0x19: {  	[sflag:s11] =	ssyncset.done $0x0  }
0x1a: {  	[sflag:s11] =	ssyncadd.s32 $0xFFFFD800  }
0x1b: {  	s16 =	simm.s32 $0x0;
	[bflag:$0x0] =	sbarrier.arrive $0xFFFF  }
0x1c: {  	[spmem:s2] =	stream.indirect.scatter.add.f32 [tilespmem:s12], [sflag:$0x1], $0x80, s16, s13, $0xb8;
	[tilespmem:$0x1A400] =	vst v63  }
0x1d: {  	s31 =	simm.s32 $0x80  }
0x1e: {  	[spmem:s2] =	stream.indirect.scatter.add.f32 [tilespmem:s12], [sflag:$0x1], $0x80, s31, s13, $0xb8;
	[tilespmem:$0x1A400] =	vst v63  }
0x1f: {  	s17 =	simm.s32 $0x100  }
0x20: {  	[spmem:s2] =	stream.indirect.scatter.add.f32 [tilespmem:s12], [sflag:$0x1], $0x80, s17, s13, $0xb8;
	[tilespmem:$0x1A400] =	vst v63  }
0x21: {  	s18 =	simm.s32 $0x180  }
0x22: {  	[spmem:s2] =	stream.indirect.scatter.add.f32 [tilespmem:s12], [sflag:$0x1], $0x80, s18, s13, $0xb8;
	[tilespmem:$0x1A400] =	vst v63  }
0x23: {  	s19 =	simm.s32 $0x200  }
0x24: {  	[spmem:s2] =	stream.indirect.scatter.add.f32 [tilespmem:s12], [sflag:$0x1], $0x80, s19, s13, $0xb8;
	[tilespmem:$0x1A400] =	vst v63  }
0x25: {  	s20 =	simm.s32 $0x280  }
0x26: {  	[spmem:s2] =	stream.indirect.scatter.add.f32 [tilespmem:s12], [sflag:$0x1], $0x80, s20, s13, $0xb8;
	[tilespmem:$0x1A400] =	vst v63  }
0x27: {  	s21 =	simm.s32 $0x300  }
0x28: {  	[spmem:s2] =	stream.indirect.scatter.add.f32 [tilespmem:s12], [sflag:$0x1], $0x80, s21, s13, $0xb8;
	[tilespmem:$0x1A400] =	vst v63  }
0x29: {  	s22 =	simm.s32 $0x380  }
0x2a: {  	[spmem:s2] =	stream.indirect.scatter.add.f32 [tilespmem:s12], [sflag:$0x1], $0x80, s22, s13, $0xb8;
	[tilespmem:$0x1A400] =	vst v63  }
0x2b: {  	s23 =	simm.s32 $0x400  }
0x2c: {  	[spmem:s2] =	stream.indirect.scatter.add.f32 [tilespmem:s12], [sflag:$0x1], $0x80, s23, s13, $0xb8;
	[tilespmem:$0x1A400] =	vst v63  }
0x2d: {  	s24 =	simm.s32 $0x480  }
0x2e: {  	[spmem:s2] =	stream.indirect.scatter.add.f32 [tilespmem:s12], [sflag:$0x1], $0x80, s24, s13, $0xb8;
	[tilespmem:$0x1A400] =	vst v63  }
0x2f: {  	s25 =	simm.s32 $0x500  }
0x30: {  	[spmem:s2] =	stream.indirect.scatter.add.f32 [tilespmem:s12], [sflag:$0x1], $0x80, s25, s13, $0xb8;
	[tilespmem:$0x1A400] =	vst v63  }
0x31: {  	s26 =	simm.s32 $0x580  }
0x32: {  	[spmem:s2] =	stream.indirect.scatter.add.f32 [tilespmem:s12], [sflag:$0x1], $0x80, s26, s13, $0xb8;
	[tilespmem:$0x1A400] =	vst v63  }
0x33: {  	s28 =	simm.s32 $0x600  }
0x34: {  	[spmem:s2] =	stream.indirect.scatter.add.f32 [tilespmem:s12], [sflag:$0x1], $0x80, s28, s13, $0xb8;
	[tilespmem:$0x1A400] =	vst v63  }
0x35: {  	s29 =	simm.s32 $0x680  }
0x36: {  	[spmem:s2] =	stream.indirect.scatter.add.f32 [tilespmem:s12], [sflag:$0x1], $0x80, s29, s13, $0xb8;
	[tilespmem:$0x1A400] =	vst v63  }
0x37: {  	s30 =	simm.s32 $0x700  }
0x38: {  	[spmem:s2] =	stream.indirect.scatter.add.f32 [tilespmem:s12], [sflag:$0x1], $0x80, s30, s13, $0xb8;
	[tilespmem:$0x1A400] =	vst v63  }
0x39: {  	s31 =	simm.s32 $0x780  }
0x3a: {  	[spmem:s2] =	stream.indirect.scatter.add.f32 [tilespmem:s12], [sflag:$0x1], $0x80, s31, s13, $0xb8;
	[tilespmem:$0x1A400] =	vst v63  }
0x3b: {  	_ =	swait.ge [sflag:s14], $0x4000  }
0x3c: {  	[sflag:s14] =	ssyncset.done $0x0  }
0x3d: {  	[sflag:s14] =	ssyncadd.s32 $0xFFFFC000  }
0x3e: {  	_ =	swait.ge [sflag:s14], $0x4000  }
0x3f: {  	[sflag:s14] =	ssyncset.done $0x0  }
0x40: {  	[sflag:s14] =	ssyncadd.s32 $0xFFFFC000  }
0x41: {  	_ =	swait.ge [sflag:s14], $0x4000  }
0x42: {  	[sflag:s14] =	ssyncset.done $0x0  }
0x43: {  	[sflag:s14] =	ssyncadd.s32 $0xFFFFC000  }
0x44: {  	_ =	swait.ge [sflag:s14], $0x4000  }
0x45: {  	[sflag:s14] =	ssyncset.done $0x0  }
0x46: {  	[sflag:s14] =	ssyncadd.s32 $0xFFFFC000  }
0x47: {  	_ =	swait.ge [sflag:s14], $0x4000  }
0x48: {  	[sflag:s14] =	ssyncset.done $0x0  }
0x49: {  	[sflag:s14] =	ssyncadd.s32 $0xFFFFC000  }
0x4a: {  	_ =	swait.ge [sflag:s14], $0x4000  }
0x4b: {  	[sflag:s14] =	ssyncset.done $0x0  }
0x4c: {  	[sflag:s14] =	ssyncadd.s32 $0xFFFFC000  }
0x4d: {  	_ =	swait.ge [sflag:s14], $0x4000  }
0x4e: {  	[sflag:s14] =	ssyncset.done $0x0  }
0x4f: {  	[sflag:s14] =	ssyncadd.s32 $0xFFFFC000  }
0x50: {  	_ =	swait.ge [sflag:s14], $0x4000  }
0x51: {  	[sflag:s14] =	ssyncset.done $0x0  }
0x52: {  	[sflag:s14] =	ssyncadd.s32 $0xFFFFC000  }
0x53: {  	_ =	swait.ge [sflag:s14], $0x4000  }
0x54: {  	[sflag:s14] =	ssyncset.done $0x0  }
0x55: {  	[sflag:s14] =	ssyncadd.s32 $0xFFFFC000  }
0x56: {  	_ =	swait.ge [sflag:s14], $0x4000  }
0x57: {  	[sflag:s14] =	ssyncset.done $0x0  }
0x58: {  	[sflag:s14] =	ssyncadd.s32 $0xFFFFC000  }
0x59: {  	_ =	swait.ge [sflag:s14], $0x4000  }
0x5a: {  	[sflag:s14] =	ssyncset.done $0x0  }
0x5b: {  	[sflag:s14] =	ssyncadd.s32 $0xFFFFC000  }
0x5c: {  	_ =	swait.ge [sflag:s14], $0x4000  }
0x5d: {  	[sflag:s14] =	ssyncset.done $0x0  }
0x5e: {  	[sflag:s14] =	ssyncadd.s32 $0xFFFFC000  }
0x5f: {  	_ =	swait.ge [sflag:s14], $0x4000  }
0x60: {  	[sflag:s14] =	ssyncset.done $0x0  }
0x61: {  	[sflag:s14] =	ssyncadd.s32 $0xFFFFC000  }
0x62: {  	_ =	swait.ge [sflag:s14], $0x4000  }
0x63: {  	[sflag:s14] =	ssyncset.done $0x0  }
0x64: {  	[sflag:s14] =	ssyncadd.s32 $0xFFFFC000  }
0x65: {  	_ =	swait.ge [sflag:s14], $0x4000  }
0x66: {  	[sflag:s14] =	ssyncset.done $0x0  }
0x67: {  	[sflag:s14] =	ssyncadd.s32 $0xFFFFC000  }
0x68: {  	_ =	swait.ge [sflag:s14], $0x4000  }
0x69: {  	s16 =	simm.s32 $0x2000;
	s19 =	simm.s32 $0x4000;
	[sflag:s14] =	ssyncset.done $0x0  }
.LBB2_2:
0x6a: {  	s18 =	sshra.s32 s16, $0x2  }
0x6b: {  	[sflag:s14] =	ssyncadd.s32 $0xFFFFC000;
	s16 =	smov.u32 s19;
	s17 =	sadd.s32 $0x2000, s19  }
0x6c: {  	[spmem:s2] =	stream.indirect.scatter.add.f32 [tilespmem:s12], [sflag:$0x1], $0x80, s18, s13, $0xb8;
	[tilespmem:$0x1A400] =	vst v63  }
0x6d: {  	p0 =	sne.s32 s19, $0x8000;
	s19 =	sadd.s32 $0x80, s18  }
0x6e: {  	[spmem:s2] =	stream.indirect.scatter.add.f32 [tilespmem:s12], [sflag:$0x1], $0x80, s19, s13, $0xb8;
	[tilespmem:$0x1A400] =	vst v63  }
0x6f: {  	s19 =	sadd.s32 $0x100, s18  }
0x70: {  	[spmem:s2] =	stream.indirect.scatter.add.f32 [tilespmem:s12], [sflag:$0x1], $0x80, s19, s13, $0xb8;
	[tilespmem:$0x1A400] =	vst v63  }
0x71: {  	s19 =	sadd.s32 $0x180, s18  }
0x72: {  	[spmem:s2] =	stream.indirect.scatter.add.f32 [tilespmem:s12], [sflag:$0x1], $0x80, s19, s13, $0xb8;
	[tilespmem:$0x1A400] =	vst v63  }
0x73: {  	s19 =	sadd.s32 $0x200, s18  }
0x74: {  	[spmem:s2] =	stream.indirect.scatter.add.f32 [tilespmem:s12], [sflag:$0x1], $0x80, s19, s13, $0xb8;
	[tilespmem:$0x1A400] =	vst v63  }
0x75: {  	s19 =	sadd.s32 $0x280, s18  }
0x76: {  	[spmem:s2] =	stream.indirect.scatter.add.f32 [tilespmem:s12], [sflag:$0x1], $0x80, s19, s13, $0xb8;
	[tilespmem:$0x1A400] =	vst v63  }
0x77: {  	s19 =	sadd.s32 $0x300, s18  }
0x78: {  	[spmem:s2] =	stream.indirect.scatter.add.f32 [tilespmem:s12], [sflag:$0x1], $0x80, s19, s13, $0xb8;
	[tilespmem:$0x1A400] =	vst v63  }
0x79: {  	s19 =	sadd.s32 $0x380, s18  }
0x7a: {  	[spmem:s2] =	stream.indirect.scatter.add.f32 [tilespmem:s12], [sflag:$0x1], $0x80, s19, s13, $0xb8;
	[tilespmem:$0x1A400] =	vst v63  }
0x7b: {  	s19 =	sadd.s32 $0x400, s18  }
0x7c: {  	[spmem:s2] =	stream.indirect.scatter.add.f32 [tilespmem:s12], [sflag:$0x1], $0x80, s19, s13, $0xb8;
	[tilespmem:$0x1A400] =	vst v63  }
0x7d: {  	s19 =	sadd.s32 $0x480, s18  }
0x7e: {  	[spmem:s2] =	stream.indirect.scatter.add.f32 [tilespmem:s12], [sflag:$0x1], $0x80, s19, s13, $0xb8;
	[tilespmem:$0x1A400] =	vst v63  }
0x7f: {  	s19 =	sadd.s32 $0x500, s18  }
0x80: {  	[spmem:s2] =	stream.indirect.scatter.add.f32 [tilespmem:s12], [sflag:$0x1], $0x80, s19, s13, $0xb8;
	[tilespmem:$0x1A400] =	vst v63  }
0x81: {  	s19 =	sadd.s32 $0x580, s18  }
0x82: {  	[spmem:s2] =	stream.indirect.scatter.add.f32 [tilespmem:s12], [sflag:$0x1], $0x80, s19, s13, $0xb8;
	[tilespmem:$0x1A400] =	vst v63  }
0x83: {  	s19 =	sadd.s32 $0x600, s18  }
0x84: {  	[spmem:s2] =	stream.indirect.scatter.add.f32 [tilespmem:s12], [sflag:$0x1], $0x80, s19, s13, $0xb8;
	[tilespmem:$0x1A400] =	vst v63  }
0x85: {  	s19 =	sadd.s32 $0x680, s18  }
0x86: {  	[spmem:s2] =	stream.indirect.scatter.add.f32 [tilespmem:s12], [sflag:$0x1], $0x80, s19, s13, $0xb8;
	[tilespmem:$0x1A400] =	vst v63  }
0x87: {  	s19 =	sadd.s32 $0x700, s18  }
0x88: {  	[spmem:s2] =	stream.indirect.scatter.add.f32 [tilespmem:s12], [sflag:$0x1], $0x80, s19, s13, $0xb8;
	[tilespmem:$0x1A400] =	vst v63  }
0x89: {  	s18 =	sadd.s32 $0x780, s18  }
0x8a: {  	[spmem:s2] =	stream.indirect.scatter.add.f32 [tilespmem:s12], [sflag:$0x1], $0x80, s18, s13, $0xb8;
	[tilespmem:$0x1A400] =	vst v63  }
0x8b: {  	_ =	swait.ge [sflag:s14], $0x4000  }
0x8c: {  	[sflag:s14] =	ssyncset.done $0x0  }
0x8d: {  	[sflag:s14] =	ssyncadd.s32 $0xFFFFC000  }
0x8e: {  	_ =	swait.ge [sflag:s14], $0x4000  }
0x8f: {  	[sflag:s14] =	ssyncset.done $0x0  }
0x90: {  	[sflag:s14] =	ssyncadd.s32 $0xFFFFC000  }
0x91: {  	_ =	swait.ge [sflag:s14], $0x4000  }
0x92: {  	[sflag:s14] =	ssyncset.done $0x0  }
0x93: {  	[sflag:s14] =	ssyncadd.s32 $0xFFFFC000  }
0x94: {  	_ =	swait.ge [sflag:s14], $0x4000  }
0x95: {  	[sflag:s14] =	ssyncset.done $0x0  }
0x96: {  	[sflag:s14] =	ssyncadd.s32 $0xFFFFC000  }
0x97: {  	_ =	swait.ge [sflag:s14], $0x4000  }
0x98: {  	[sflag:s14] =	ssyncset.done $0x0  }
0x99: {  	[sflag:s14] =	ssyncadd.s32 $0xFFFFC000  }
0x9a: {  	_ =	swait.ge [sflag:s14], $0x4000  }
0x9b: {  	[sflag:s14] =	ssyncset.done $0x0  }
0x9c: {  	[sflag:s14] =	ssyncadd.s32 $0xFFFFC000  }
0x9d: {  	_ =	swait.ge [sflag:s14], $0x4000  }
0x9e: {  	[sflag:s14] =	ssyncset.done $0x0  }
0x9f: {  	[sflag:s14] =	ssyncadd.s32 $0xFFFFC000  }
0xa0: {  	_ =	swait.ge [sflag:s14], $0x4000  }
0xa1: {  	[sflag:s14] =	ssyncset.done $0x0  }
0xa2: {  	[sflag:s14] =	ssyncadd.s32 $0xFFFFC000  }
0xa3: {  	_ =	swait.ge [sflag:s14], $0x4000  }
0xa4: {  	[sflag:s14] =	ssyncset.done $0x0  }
0xa5: {  	[sflag:s14] =	ssyncadd.s32 $0xFFFFC000  }
0xa6: {  	_ =	swait.ge [sflag:s14], $0x4000  }
0xa7: {  	[sflag:s14] =	ssyncset.done $0x0  }
0xa8: {  	[sflag:s14] =	ssyncadd.s32 $0xFFFFC000  }
0xa9: {  	_ =	swait.ge [sflag:s14], $0x4000  }
0xaa: {  	[sflag:s14] =	ssyncset.done $0x0  }
0xab: {  	[sflag:s14] =	ssyncadd.s32 $0xFFFFC000  }
0xac: {  	_ =	swait.ge [sflag:s14], $0x4000  }
0xad: {  	[sflag:s14] =	ssyncset.done $0x0  }
0xae: {  	[sflag:s14] =	ssyncadd.s32 $0xFFFFC000  }
0xaf: {  	_ =	swait.ge [sflag:s14], $0x4000  }
0xb0: {  	[sflag:s14] =	ssyncset.done $0x0  }
0xb1: {  	[sflag:s14] =	ssyncadd.s32 $0xFFFFC000  }
0xb2: {  	_ =	swait.ge [sflag:s14], $0x4000  }
0xb3: {  	[sflag:s14] =	ssyncset.done $0x0  }
0xb4: {  	[sflag:s14] =	ssyncadd.s32 $0xFFFFC000  }
.Ltmp0:
0xb5: {  	_ =	swait.ge [sflag:s14], $0x4000;
	(pc) =	sbr.rel @p0 .LBB2_2-.Ltmp0, $4  }
0xb6: {  	[sflag:s14] =	ssyncset.done $0x0  }
0xb7: {  	[sflag:s14] =	ssyncadd.s32 $0xFFFFC000  }
0xb8: {  	_ =	swait.ge [sflag:s14], $0x4000  }
0xb9: {  	s19 =	smov.u32 s17;
	[sflag:s14] =	ssyncset.done $0x0  }
0xba: {  	s16 =	sshra.s32 s16, $0x2;
	[sflag:s14] =	ssyncadd.s32 $0xFFFFC000  }
0xbb: {  	[spmem:s2] =	stream.indirect.scatter.add.f32 [tilespmem:s12], [sflag:$0x1], $0x80, s16, s13, $0xb8;
	[tilespmem:$0x1A400] =	vst v63  }
0xbc: {  	s17 =	sadd.s32 $0x80, s16  }
0xbd: {  	[spmem:s2] =	stream.indirect.scatter.add.f32 [tilespmem:s12], [sflag:$0x1], $0x80, s17, s13, $0xb8;
	[tilespmem:$0x1A400] =	vst v63  }
0xbe: {  	s18 =	sadd.s32 $0x100, s16  }
0xbf: {  	[spmem:s2] =	stream.indirect.scatter.add.f32 [tilespmem:s12], [sflag:$0x1], $0x80, s18, s13, $0xb8;
	[tilespmem:$0x1A400] =	vst v63  }
0xc0: {  	s19 =	sadd.s32 $0x180, s16  }
0xc1: {  	[spmem:s2] =	stream.indirect.scatter.add.f32 [tilespmem:s12], [sflag:$0x1], $0x80, s19, s13, $0xb8;
	[tilespmem:$0x1A400] =	vst v63  }
0xc2: {  	s20 =	sadd.s32 $0x200, s16  }
0xc3: {  	[spmem:s2] =	stream.indirect.scatter.add.f32 [tilespmem:s12], [sflag:$0x1], $0x80, s20, s13, $0xb8;
	[tilespmem:$0x1A400] =	vst v63  }
0xc4: {  	s21 =	sadd.s32 $0x280, s16  }
0xc5: {  	[spmem:s2] =	stream.indirect.scatter.add.f32 [tilespmem:s12], [sflag:$0x1], $0x80, s21, s13, $0xb8;
	[tilespmem:$0x1A400] =	vst v63  }
0xc6: {  	s22 =	sadd.s32 $0x300, s16  }
0xc7: {  	[spmem:s2] =	stream.indirect.scatter.add.f32 [tilespmem:s12], [sflag:$0x1], $0x80, s22, s13, $0xb8;
	[tilespmem:$0x1A400] =	vst v63  }
0xc8: {  	s23 =	sadd.s32 $0x380, s16  }
0xc9: {  	[spmem:s2] =	stream.indirect.scatter.add.f32 [tilespmem:s12], [sflag:$0x1], $0x80, s23, s13, $0xb8;
	[tilespmem:$0x1A400] =	vst v63  }
0xca: {  	s24 =	sadd.s32 $0x400, s16  }
0xcb: {  	[spmem:s2] =	stream.indirect.scatter.add.f32 [tilespmem:s12], [sflag:$0x1], $0x80, s24, s13, $0xb8;
	[tilespmem:$0x1A400] =	vst v63  }
0xcc: {  	s25 =	sadd.s32 $0x480, s16  }
0xcd: {  	[spmem:s2] =	stream.indirect.scatter.add.f32 [tilespmem:s12], [sflag:$0x1], $0x80, s25, s13, $0xb8;
	[tilespmem:$0x1A400] =	vst v63  }
0xce: {  	s26 =	sadd.s32 $0x500, s16  }
0xcf: {  	[spmem:s2] =	stream.indirect.scatter.add.f32 [tilespmem:s12], [sflag:$0x1], $0x80, s26, s13, $0xb8;
	[tilespmem:$0x1A400] =	vst v63  }
0xd0: {  	s28 =	sadd.s32 $0x580, s16  }
0xd1: {  	[spmem:s2] =	stream.indirect.scatter.add.f32 [tilespmem:s12], [sflag:$0x1], $0x80, s28, s13, $0xb8;
	[tilespmem:$0x1A400] =	vst v63  }
0xd2: {  	s29 =	sadd.s32 $0x600, s16  }
0xd3: {  	[spmem:s2] =	stream.indirect.scatter.add.f32 [tilespmem:s12], [sflag:$0x1], $0x80, s29, s13, $0xb8;
	[tilespmem:$0x1A400] =	vst v63  }
0xd4: {  	s30 =	sadd.s32 $0x680, s16  }
0xd5: {  	[spmem:s2] =	stream.indirect.scatter.add.f32 [tilespmem:s12], [sflag:$0x1], $0x80, s30, s13, $0xb8;
	[tilespmem:$0x1A400] =	vst v63  }
0xd6: {  	s31 =	sadd.s32 $0x700, s16  }
0xd7: {  	[spmem:s2] =	stream.indirect.scatter.add.f32 [tilespmem:s12], [sflag:$0x1], $0x80, s31, s13, $0xb8;
	[tilespmem:$0x1A400] =	vst v63  }
0xd8: {  	s16 =	sadd.s32 $0x780, s16  }
0xd9: {  	[spmem:s2] =	stream.indirect.scatter.add.f32 [tilespmem:s12], [sflag:$0x1], $0x80, s16, s13, $0xb8;
	[tilespmem:$0x1A400] =	vst v63  }
0xda: {  	_ =	swait.ge [sflag:s14], $0x4000  }
0xdb: {  	[sflag:s14] =	ssyncset.done $0x0  }
0xdc: {  	[sflag:s14] =	ssyncadd.s32 $0xFFFFC000  }
0xdd: {  	_ =	swait.ge [sflag:s14], $0x4000  }
0xde: {  	[sflag:s14] =	ssyncset.done $0x0  }
0xdf: {  	[sflag:s14] =	ssyncadd.s32 $0xFFFFC000  }
0xe0: {  	_ =	swait.ge [sflag:s14], $0x4000  }
0xe1: {  	[sflag:s14] =	ssyncset.done $0x0  }
0xe2: {  	[sflag:s14] =	ssyncadd.s32 $0xFFFFC000  }
0xe3: {  	_ =	swait.ge [sflag:s14], $0x4000  }
0xe4: {  	[sflag:s14] =	ssyncset.done $0x0  }
0xe5: {  	[sflag:s14] =	ssyncadd.s32 $0xFFFFC000  }
0xe6: {  	_ =	swait.ge [sflag:s14], $0x4000  }
0xe7: {  	[sflag:s14] =	ssyncset.done $0x0  }
0xe8: {  	[sflag:s14] =	ssyncadd.s32 $0xFFFFC000  }
0xe9: {  	_ =	swait.ge [sflag:s14], $0x4000  }
0xea: {  	[sflag:s14] =	ssyncset.done $0x0  }
0xeb: {  	[sflag:s14] =	ssyncadd.s32 $0xFFFFC000  }
0xec: {  	_ =	swait.ge [sflag:s14], $0x4000  }
0xed: {  	[sflag:s14] =	ssyncset.done $0x0  }
0xee: {  	[sflag:s14] =	ssyncadd.s32 $0xFFFFC000  }
0xef: {  	_ =	swait.ge [sflag:s14], $0x4000  }
0xf0: {  	[sflag:s14] =	ssyncset.done $0x0  }
0xf1: {  	[sflag:s14] =	ssyncadd.s32 $0xFFFFC000  }
0xf2: {  	_ =	swait.ge [sflag:s14], $0x4000  }
0xf3: {  	[sflag:s14] =	ssyncset.done $0x0  }
0xf4: {  	[sflag:s14] =	ssyncadd.s32 $0xFFFFC000  }
0xf5: {  	_ =	swait.ge [sflag:s14], $0x4000  }
0xf6: {  	[sflag:s14] =	ssyncset.done $0x0  }
0xf7: {  	[sflag:s14] =	ssyncadd.s32 $0xFFFFC000  }
0xf8: {  	_ =	swait.ge [sflag:s14], $0x4000  }
0xf9: {  	[sflag:s14] =	ssyncset.done $0x0  }
0xfa: {  	[sflag:s14] =	ssyncadd.s32 $0xFFFFC000  }
0xfb: {  	_ =	swait.ge [sflag:s14], $0x4000  }
0xfc: {  	[sflag:s14] =	ssyncset.done $0x0  }
0xfd: {  	[sflag:s14] =	ssyncadd.s32 $0xFFFFC000  }
0xfe: {  	_ =	swait.ge [sflag:s14], $0x4000  }
0xff: {  	[sflag:s14] =	ssyncset.done $0x0  }
0x100: {  	[sflag:s14] =	ssyncadd.s32 $0xFFFFC000  }
0x101: {  	_ =	swait.ge [sflag:s14], $0x4000  }
0x102: {  	[sflag:s14] =	ssyncset.done $0x0  }
0x103: {  	[sflag:s14] =	ssyncadd.s32 $0xFFFFC000  }
0x104: {  	_ =	swait.ge [sflag:s14], $0x4000  }
0x105: {  	[sflag:s14] =	ssyncset.done $0x0  }
0x106: {  	[sflag:s14] =	ssyncadd.s32 $0xFFFFC000  }
0x107: {  	_ =	swait.ge [sflag:s14], $0x4000  }
0x108: {  	s15 =	sadd.s32 $0x1, s15;
	[sflag:s14] =	ssyncset.done $0x0  }
0x109: {  	p0 =	sne.s32 s15, s9;
	[sflag:s14] =	ssyncadd.s32 $0xFFFFC000  }
.Ltmp1:
0x10a: {  	[bflag:$0x0] =	sbarrier.arrive $0xFFFF;
	(pc) =	sbr.rel @p0 .LBB2_1-.Ltmp1, $4  }
0x10b: {  	[hbm:s8], [sflag:s6] =	dma.local [spmem:s10], $0x2780  }
0x10c: {  	_ =	swait.ge [sflag:s11], $0x2780  }
0x10d: {  	[sflag:s11] =	ssyncset.done $0x0  }
0x10e: {  	[sflag:s11] =	ssyncadd.s32 $0xFFFFD880  }
0x10f: {  	_ =	sfence.sel $0x180000  }
0x110: {  	[bflag:$0x0] =	sbarrier.arrive $0xFFFF  }
0x111: {  	p0 =	sne.s32 s1, $0x0;
	_ =	strace $0x90000047  }
0x112: {  	s0 =	sadd.s32 @!p0 $0x100000, s0;
	[bflag:$0x2] =	sbarrier.arrive $0xFFFF  }
0x113: {  	[sflag:s0] =	ssyncadd.tile.s32 @!p0 $0x1;
	_ =	shalt  }
.Lfunc_end2:
_tile_overlayer_lowered:
.L_overlay_start_2:
0x114: {  	(tag) =	ssettag $0x2  }
0x115: {  	s0 =	rddreg [dreg:$0x0];
	s2 =	stileid.u32  }
0x116: {  	s1 =	rddreg [dreg:$0x1];
	p0 =	sne.s32 s2, $0x0  }
0x117: {  	s3 =	rddreg [dreg:$0x2];
	[bflag:$0x3] =	sbarrier.arrive $0xFFFF;
	s2 =	simm.s32 @!p0 $0x1C02  }
0x118: {  	[timem:s3], [sflag:s2] =	dma.local @!p0 [hbm:s0], s1  }
0x119: {  	s0 =	simm.s32 @!p0 $0x2  }
0x11a: {  	_ =	swait.ge @!p0 [sflag:s0], s1  }
0x11b: {  	s1 =	ssub.s32 @!p0 $0x0, s1;
	[sflag:s0] =	ssyncset.done @!p0 $0x0  }
0x11c: {  	[sflag:s0] =	ssyncadd.s32 @!p0 s1  }
0x11d: {  	[bflag:$0x3] =	sbarrier.arrive $0xFFFF  }
0x11e: {  	_ =	shalt  }

</sc_bundles>
